<compile_context>
chip_gen: v7x
topology: tpu7x:2x2x1
jax: 0.10.2.dev20260603
libtpu: 0.0.44.dev20260713+nightly
codegen_flags: <defaults>
</compile_context>

<pallas_src>
import functools

import jax
import jax.numpy as jnp
from jax import lax
from jax.experimental import pallas as pl
from jax.experimental.pallas import tpu as pltpu
from jax.experimental.pallas import tpu_sc as plsc

N = 10000
E = 320000
D_FEAT = 128
EMB = 64
LABELS = 16
ATT = 128
K_LAYER = 3
ALPHA = 0.1

NC = 2
NS = 16
L = 16

CHUNK = 128
CPT = 160
E_PAD = CPT * CHUNK * NS
N_PAD = 10240
RPT = N_PAD // NS
DUMP = N_PAD


def _proj_body(x_ref, aug_ref, wt_ref, wb_ref, b_ref, o_ref):
    temp = (aug_ref[0] + aug_ref[1] + aug_ref[2] + aug_ref[3]) * 0.25
    z = jnp.dot(x_ref[...], wt_ref[...], preferred_element_type=jnp.float32)
    z = z + jnp.dot(temp, wb_ref[...], preferred_element_type=jnp.float32)
    z = z + b_ref[...]
    o_ref[pl.ds(0, N)] = jnp.maximum(z, 0.0)
    o_ref[pl.ds(N, N_PAD - N)] = jnp.zeros((N_PAD - N, LABELS), jnp.float32)


def _project(x, aug_feats, W_proj, b_proj):
    return pl.pallas_call(
        _proj_body,
        out_shape=jax.ShapeDtypeStruct((N_PAD, LABELS), jnp.float32),
    )(x, aug_feats, W_proj[:D_FEAT], W_proj[D_FEAT:], b_proj.reshape(1, LABELS))


def _prop_body(z0_hbm, srcs_hbm, dsts_hbm, out_hbm,
               idx_s, idx_d, rb0, rb1, rb2, rb3, ones_v, A, D, Z, zeros_v,
               h_s, agg_s, deg_s, sg0, sg1, sg2, sg3, ss0, ss1, ss2, ss3, sem_d):
    rbs = (rb0, rb1, rb2, rb3)
    sem_g = (sg0, sg1, sg2, sg3)
    sem_s = (ss0, ss1, ss2, ss3)
    c = lax.axis_index("c")
    s = lax.axis_index("s")
    rowbase = s * RPT

    pltpu.sync_copy(srcs_hbm.at[c, pl.ds(s * CPT, CPT)], idx_s)
    pltpu.sync_copy(dsts_hbm.at[c, pl.ds(s * CPT, CPT)], idx_d)

    @pl.loop(0, CHUNK)
    def _(i):
        ones_v[i] = jnp.full((L,), 1.0, jnp.float32)

    @pl.loop(0, RPT)
    def _(i):
        zeros_v[i] = jnp.zeros((L,), jnp.float32)

    pltpu.sync_copy(z0_hbm.at[pl.ds(rowbase, RPT)], Z)
    pltpu.sync_copy(z0_hbm.at[pl.ds(rowbase, RPT)], h_s.at[pl.ds(rowbase, RPT)])

    pltpu.sync_copy(zeros_v, agg_s.at[pl.ds(rowbase, RPT)])
    pltpu.sync_copy(zeros_v, deg_s.at[pl.ds(rowbase, RPT)])
    plsc.subcore_barrier()

    NB = len(rbs)

    for k in range(K_LAYER):
        src2d = h_s

        for b in range(NB - 1):
            pltpu.async_copy(src2d.at[idx_s.at[b]], rbs[b], sem_g[b])

        @pl.loop(0, CPT // NB)
        def _(t):
            for b in range(NB):
                j = NB * t + b
                bp = (b - 1) % NB
                pltpu.make_async_copy(src2d.at[idx_s.at[j]], rbs[b],
                                      sem_g[b]).wait()
                pltpu.async_copy(rbs[b], agg_s.at[idx_d.at[j]], sem_s[b],
                                 add=True)
                if k == 0:
                    pltpu.async_copy(ones_v, deg_s.at[idx_d.at[j]], sem_d,
                                     add=True)

                @pl.when(j + NB - 1 < CPT)
                def _():
                    @pl.when(j > 0)
                    def _():
                        pltpu.make_async_copy(
                            rbs[bp], agg_s.at[idx_d.at[0]], sem_s[bp]).wait()
                    pltpu.async_copy(src2d.at[idx_s.at[j + NB - 1]], rbs[bp],
                                     sem_g[bp])

        for b in range(NB):
            pltpu.make_async_copy(rbs[b], agg_s.at[idx_d.at[0]],
                                  sem_s[b]).wait()
        if k == 0:
            @pl.loop(0, CPT)
            def _(j):
                pltpu.make_async_copy(ones_v, deg_s.at[idx_d.at[0]],
                                      sem_d).wait()
        plsc.subcore_barrier()

        if k == 0:
            pltpu.sync_copy(deg_s.at[pl.ds(rowbase, RPT)], D)

            @pl.loop(0, RPT)
            def _(i):
                D[i] = (1.0 - ALPHA) / jnp.maximum(D[i], 1.0)

        pltpu.sync_copy(agg_s.at[pl.ds(rowbase, RPT)], A)

        @pl.loop(0, RPT)
        def _(i):
            A[i] = A[i] * D[i] + ALPHA * Z[i]

        if k < K_LAYER - 1:
            pltpu.sync_copy(A, h_s.at[pl.ds(rowbase, RPT)])
            pltpu.sync_copy(zeros_v, agg_s.at[pl.ds(rowbase, RPT)])
        else:
            pltpu.sync_copy(A, out_hbm.at[c, pl.ds(rowbase, RPT)])
        plsc.subcore_barrier()


_propagate = pl.kernel(
    _prop_body,
    out_type=jax.ShapeDtypeStruct((NC, N_PAD, LABELS), jnp.float32),
    mesh=plsc.VectorSubcoreMesh(core_axis_name="c", subcore_axis_name="s"),
    compiler_params=pltpu.CompilerParams(use_tc_tiling_on_sc=False),
    scratch_types=[
        pltpu.VMEM((CPT, CHUNK), jnp.int32),
        pltpu.VMEM((CPT, CHUNK), jnp.int32),
        pltpu.VMEM((CHUNK, LABELS), jnp.float32),
        pltpu.VMEM((CHUNK, LABELS), jnp.float32),
        pltpu.VMEM((CHUNK, LABELS), jnp.float32),
        pltpu.VMEM((CHUNK, LABELS), jnp.float32),
        pltpu.VMEM((CHUNK, LABELS), jnp.float32),
        pltpu.VMEM((RPT, LABELS), jnp.float32),
        pltpu.VMEM((RPT, LABELS), jnp.float32),
        pltpu.VMEM((RPT, LABELS), jnp.float32),
        pltpu.VMEM((RPT, LABELS), jnp.float32),
        pltpu.VMEM_SHARED((N_PAD + 8, LABELS), jnp.float32),
        pltpu.VMEM_SHARED((N_PAD + 8, LABELS), jnp.float32),
        pltpu.VMEM_SHARED((N_PAD + 8, LABELS), jnp.float32),
        pltpu.SemaphoreType.DMA,
        pltpu.SemaphoreType.DMA,
        pltpu.SemaphoreType.DMA,
        pltpu.SemaphoreType.DMA,
        pltpu.SemaphoreType.DMA,
        pltpu.SemaphoreType.DMA,
        pltpu.SemaphoreType.DMA,
        pltpu.SemaphoreType.DMA,
        pltpu.SemaphoreType.DMA,
    ],
)


def _pad_edges(ei):
    src = jnp.concatenate([ei[0], jnp.zeros((E_PAD - E,), jnp.int32)])
    dst = jnp.concatenate([ei[1], jnp.full((E_PAD - E,), DUMP, jnp.int32)])
    return src.reshape(NS * CPT, CHUNK), dst.reshape(NS * CPT, CHUNK)


def _att_body(h_ref, watt_ref, batt_ref, q_ref, o_ref):
    h0 = h_ref[0]
    h1 = h_ref[1]
    a0 = jnp.tanh(jnp.dot(h0, watt_ref[...], preferred_element_type=jnp.float32)
                  + batt_ref[...])
    a1 = jnp.tanh(jnp.dot(h1, watt_ref[...], preferred_element_type=jnp.float32)
                  + batt_ref[...])
    w0 = jnp.sum(a0 * q_ref[...]) / N
    w1 = jnp.sum(a1 * q_ref[...]) / N
    m = jnp.maximum(w0, w1)
    e0 = jnp.exp(w0 - m)
    e1 = jnp.exp(w1 - m)
    inv = 1.0 / (e0 + e1)
    o_ref[...] = (e0 * inv) * h0 + (e1 * inv) * h1


def _fuse(H, W_att, b_att, q_att):
    return pl.pallas_call(
        _att_body,
        out_shape=jax.ShapeDtypeStruct((N, LABELS), jnp.float32),
    )(H, W_att, b_att.reshape(1, ATT), q_att.reshape(1, ATT))


def kernel(x, aug_feats, edge_index_1, edge_index_2, W_proj, b_proj,
           W_att, b_att, q_att):
    z0 = _project(x, aug_feats, W_proj, b_proj)
    s1, d1 = _pad_edges(edge_index_1)
    s2, d2 = _pad_edges(edge_index_2)
    srcs = jnp.stack([s1, s2])
    dsts = jnp.stack([d1, d2])
    H = _propagate(z0, srcs, dsts)
    return _fuse(H[:, :N], W_att, b_att, q_att)

# --- scband reference (transcript-rebuilt; emitter-appended) ---
"""Pipeline reference for scband-hpn-aug-91027536872118 (READ-ONLY COPY).

The authoritative reference and input builder live on the scoring server;
editing this copy changes nothing except your own understanding.
"""

import jax, jax.numpy as jnp
import numpy as np

N = 10000
E = 320000
D_FEAT = 128
EMB = 64
AUG_NUM = 4
LABELS = 16
ATT = 128
K_LAYER = 3
ALPHA = 0.1
IN_DIM = D_FEAT + EMB  # 192: embedding_size*len(arg_argmentation_type) + target feat dim


def setup_inputs(seed: int = 0) -> dict:
    key = jax.random.key(seed)
    ks = jax.random.split(key, 8)
    x = jax.random.normal(ks[0], (N, D_FEAT), dtype=jnp.float32)
    aug_feats = jax.random.normal(ks[1], (AUG_NUM, N, EMB), dtype=jnp.float32)
    edge_index_1 = jax.random.randint(ks[2], (2, E), 0, N, dtype=jnp.int32)
    edge_index_2 = jax.random.randint(ks[3], (2, E), 0, N, dtype=jnp.int32)
    W_proj = jax.random.normal(ks[4], (IN_DIM, LABELS), dtype=jnp.float32) * 0.05
    b_proj = jnp.zeros((LABELS,), dtype=jnp.float32)
    W_att = jax.random.normal(ks[5], (LABELS, ATT), dtype=jnp.float32) * 0.05
    b_att = jnp.zeros((ATT,), dtype=jnp.float32)
    q_att = jax.random.normal(ks[6], (ATT,), dtype=jnp.float32) * 0.05
    return {
        "x": x,
        "aug_feats": aug_feats,
        "edge_index_1": edge_index_1,
        "edge_index_2": edge_index_2,
        "W_proj": W_proj,
        "b_proj": b_proj,
        "W_att": W_att,
        "b_att": b_att,
        "q_att": q_att,
    }


def _appnp_propagate(h0, src, dst):
    # mean-aggregation message passing (row-normalized adjacency), APPNP-style
    deg = jnp.zeros((N,), dtype=h0.dtype).at[dst].add(1.0)
    deg = jnp.maximum(deg, 1.0)
    h = h0
    for _ in range(K_LAYER):
        msg = h[src]                                   # gather
        agg = jnp.zeros_like(h).at[dst].add(msg)       # scatter-add
        agg = agg / deg[:, None]
        h = (1.0 - ALPHA) * agg + ALPHA * h0
    return h


def reference(x, aug_feats, edge_index_1, edge_index_2, W_proj, b_proj, W_att, b_att, q_att):
    # method == 'mean': average the augmentated_num augmented feature copies
    temp = jnp.mean(aug_feats, axis=0)
    # concat augmentation embedding onto target-category node features
    feat = jnp.concatenate([x, temp], axis=-1)  # [N, IN_DIM]
    # HPN semantic projection (predict-then-propagate into label space)
    z0 = jax.nn.relu(feat @ W_proj + b_proj)    # [N, LABELS]
    # per-meta-path semantic propagation
    hs = []
    for ei in (edge_index_1, edge_index_2):
        hs.append(_appnp_propagate(z0, ei[0], ei[1]))
    H = jnp.stack(hs, axis=0)                   # [P, N, LABELS]
    # semantic attention fusion across meta-paths
    w = jnp.tanh(H @ W_att + b_att) @ q_att     # [P, N]
    w = jnp.mean(w, axis=1)                     # [P]
    beta = jax.nn.softmax(w)
    logits = jnp.einsum('p,pnl->nl', beta, H)   # [N, LABELS]
    return logits

if __name__ == "__main__":
    import jax
    _d = setup_inputs()
    print(jax.jit(kernel)(*tuple(_d.values())))

</pallas_src>

<mosaic_0001>
#map = affine_map<(d0, d1) -> (0, 0)>
#map1 = affine_map<(d0, d1) -> (0, 0, 0)>
module attributes {stable_mosaic.version = 14 : i64} {
  func.func @_prop_body(%arg0: i32, %arg1: i32, %arg2: memref<10240x16xf32, #tpu.memory_space<hbm>>, %arg3: memref<2x2560x128xi32, #tpu.memory_space<hbm>>, %arg4: memref<2x2560x128xi32, #tpu.memory_space<hbm>>, %arg5: memref<2x10240x16xf32, #tpu.memory_space<hbm>>, %arg6: memref<160x128xi32, #tpu.memory_space<vmem>>, %arg7: memref<160x128xi32, #tpu.memory_space<vmem>>, %arg8: memref<128x16xf32, #tpu.memory_space<vmem>>, %arg9: memref<128x16xf32, #tpu.memory_space<vmem>>, %arg10: memref<128x16xf32, #tpu.memory_space<vmem>>, %arg11: memref<128x16xf32, #tpu.memory_space<vmem>>, %arg12: memref<128x16xf32, #tpu.memory_space<vmem>>, %arg13: memref<640x16xf32, #tpu.memory_space<vmem>>, %arg14: memref<640x16xf32, #tpu.memory_space<vmem>>, %arg15: memref<640x16xf32, #tpu.memory_space<vmem>>, %arg16: memref<640x16xf32, #tpu.memory_space<vmem>>, %arg17: memref<10248x16xf32, #tpu.memory_space<vmem_shared>>, %arg18: memref<10248x16xf32, #tpu.memory_space<vmem_shared>>, %arg19: memref<10248x16xf32, #tpu.memory_space<vmem_shared>>, %arg20: memref<!tpu.dma_semaphore, #tpu.memory_space<semaphore_mem>>, %arg21: memref<!tpu.dma_semaphore, #tpu.memory_space<semaphore_mem>>, %arg22: memref<!tpu.dma_semaphore, #tpu.memory_space<semaphore_mem>>, %arg23: memref<!tpu.dma_semaphore, #tpu.memory_space<semaphore_mem>>, %arg24: memref<!tpu.dma_semaphore, #tpu.memory_space<semaphore_mem>>, %arg25: memref<!tpu.dma_semaphore, #tpu.memory_space<semaphore_mem>>, %arg26: memref<!tpu.dma_semaphore, #tpu.memory_space<semaphore_mem>>, %arg27: memref<!tpu.dma_semaphore, #tpu.memory_space<semaphore_mem>>, %arg28: memref<!tpu.dma_semaphore, #tpu.memory_space<semaphore_mem>>) attributes {dimension_semantics = [#tpu.dimension_semantics<core_parallel>, #tpu.dimension_semantics<subcore_parallel>], iteration_bounds = array<i64: 2, 16>, scalar_prefetch = 0 : i64, scratch_operands = 23 : i64, tpu.core_type = #tpu.core_type<sc_vector_subcore>, window_params = [{transform_indices = #map}, {transform_indices = #map1}, {transform_indices = #map1}, {transform_indices = #map1}]} {
    %mul3A = arith.constant 640 : i32
    %mul3A_0 = arith.muli %arg1, %mul3A : i32
    %mul3A_1 = arith.constant 160 : i32
    %mul3A_2 = arith.muli %arg1, %mul3A_1 : i32
    "tpu.region"() ({
      %run_scoped3A = tpu.sem_alloc : memref<!tpu.dma_semaphore, #tpu.memory_space<semaphore_mem>>
      %dma_start3A_205 = arith.constant 0 : i32
      %dma_start3A_206 = tpu.memref_slice %arg3[%arg0, %mul3A_2, %dma_start3A_205] : memref<2x2560x128xi32, #tpu.memory_space<hbm>> -> memref<1x160x128xi32, #tpu.memory_space<hbm>>
      %dma_start3A_207 = tpu.memref_squeeze %dma_start3A_206 : memref<1x160x128xi32, #tpu.memory_space<hbm>> -> memref<160x128xi32, #tpu.memory_space<hbm>>
      %dma_start3A_208 = arith.constant 0 : i32
      %dma_start3A_209 = tpu.memref_slice %arg3[%arg0, %mul3A_2, %dma_start3A_208] : memref<2x2560x128xi32, #tpu.memory_space<hbm>> -> memref<1x160x128xi32, #tpu.memory_space<hbm>>
      %dma_start3A_210 = tpu.memref_squeeze %dma_start3A_209 : memref<1x160x128xi32, #tpu.memory_space<hbm>> -> memref<160x128xi32, #tpu.memory_space<hbm>>
      tpu.enqueue_dma source(%dma_start3A_210 : memref<160x128xi32, #tpu.memory_space<hbm>>) target(%arg6 : memref<160x128xi32, #tpu.memory_space<vmem>>) target_semaphore(%run_scoped3A : memref<!tpu.dma_semaphore, #tpu.memory_space<semaphore_mem>>)
      %dma_wait3A_211 = arith.constant 0 : i32
      %dma_wait3A_212 = tpu.memref_slice %arg3[%arg0, %mul3A_2, %dma_wait3A_211] : memref<2x2560x128xi32, #tpu.memory_space<hbm>> -> memref<1x160x128xi32, #tpu.memory_space<hbm>>
      %dma_wait3A_213 = tpu.memref_squeeze %dma_wait3A_212 : memref<1x160x128xi32, #tpu.memory_space<hbm>> -> memref<160x128xi32, #tpu.memory_space<hbm>>
      %dma_wait3A_214 = arith.constant 0 : i32
      %dma_wait3A_215 = tpu.memref_slice %arg3[%arg0, %mul3A_2, %dma_wait3A_214] : memref<2x2560x128xi32, #tpu.memory_space<hbm>> -> memref<1x160x128xi32, #tpu.memory_space<hbm>>
      %dma_wait3A_216 = tpu.memref_squeeze %dma_wait3A_215 : memref<1x160x128xi32, #tpu.memory_space<hbm>> -> memref<160x128xi32, #tpu.memory_space<hbm>>
      tpu.wait_dma2 semaphore(%run_scoped3A : memref<!tpu.dma_semaphore, #tpu.memory_space<semaphore_mem>>) src(%dma_wait3A_216 : memref<160x128xi32, #tpu.memory_space<hbm>>) dst(%arg6 : memref<160x128xi32, #tpu.memory_space<vmem>>)
      tpu.yield
    }) : () -> ()
    %mul3A_3 = arith.constant 160 : i32
    %mul3A_4 = arith.muli %arg1, %mul3A_3 : i32
    "tpu.region"() ({
      %run_scoped3A = tpu.sem_alloc : memref<!tpu.dma_semaphore, #tpu.memory_space<semaphore_mem>>
      %dma_start3A_205 = arith.constant 0 : i32
      %dma_start3A_206 = tpu.memref_slice %arg4[%arg0, %mul3A_4, %dma_start3A_205] : memref<2x2560x128xi32, #tpu.memory_space<hbm>> -> memref<1x160x128xi32, #tpu.memory_space<hbm>>
      %dma_start3A_207 = tpu.memref_squeeze %dma_start3A_206 : memref<1x160x128xi32, #tpu.memory_space<hbm>> -> memref<160x128xi32, #tpu.memory_space<hbm>>
      %dma_start3A_208 = arith.constant 0 : i32
      %dma_start3A_209 = tpu.memref_slice %arg4[%arg0, %mul3A_4, %dma_start3A_208] : memref<2x2560x128xi32, #tpu.memory_space<hbm>> -> memref<1x160x128xi32, #tpu.memory_space<hbm>>
      %dma_start3A_210 = tpu.memref_squeeze %dma_start3A_209 : memref<1x160x128xi32, #tpu.memory_space<hbm>> -> memref<160x128xi32, #tpu.memory_space<hbm>>
      tpu.enqueue_dma source(%dma_start3A_210 : memref<160x128xi32, #tpu.memory_space<hbm>>) target(%arg7 : memref<160x128xi32, #tpu.memory_space<vmem>>) target_semaphore(%run_scoped3A : memref<!tpu.dma_semaphore, #tpu.memory_space<semaphore_mem>>)
      %dma_wait3A_211 = arith.constant 0 : i32
      %dma_wait3A_212 = tpu.memref_slice %arg4[%arg0, %mul3A_4, %dma_wait3A_211] : memref<2x2560x128xi32, #tpu.memory_space<hbm>> -> memref<1x160x128xi32, #tpu.memory_space<hbm>>
      %dma_wait3A_213 = tpu.memref_squeeze %dma_wait3A_212 : memref<1x160x128xi32, #tpu.memory_space<hbm>> -> memref<160x128xi32, #tpu.memory_space<hbm>>
      %dma_wait3A_214 = arith.constant 0 : i32
      %dma_wait3A_215 = tpu.memref_slice %arg4[%arg0, %mul3A_4, %dma_wait3A_214] : memref<2x2560x128xi32, #tpu.memory_space<hbm>> -> memref<1x160x128xi32, #tpu.memory_space<hbm>>
      %dma_wait3A_216 = tpu.memref_squeeze %dma_wait3A_215 : memref<1x160x128xi32, #tpu.memory_space<hbm>> -> memref<160x128xi32, #tpu.memory_space<hbm>>
      tpu.wait_dma2 semaphore(%run_scoped3A : memref<!tpu.dma_semaphore, #tpu.memory_space<semaphore_mem>>) src(%dma_wait3A_216 : memref<160x128xi32, #tpu.memory_space<hbm>>) dst(%arg7 : memref<160x128xi32, #tpu.memory_space<vmem>>)
      tpu.yield
    }) : () -> ()
    %scan3A = arith.constant 0 : i32
    %scan3A_5 = arith.constant 128 : i32
    %scan3A_6 = arith.addi %scan3A, %scan3A_5 : i32
    %scan3A_7 = arith.constant 1 : i32
    scf.for %scan3A_205 = %scan3A to %scan3A_6 step %scan3A_7  : i32 {
      %mul3A_206 = arith.constant 1 : i32
      %mul3A_207 = arith.muli %scan3A_205, %mul3A_206 : i32
      %add3A = arith.constant 0 : i32
      %add3A_208 = arith.addi %add3A, %mul3A_207 : i32
      %broadcast_in_dim3A = arith.constant 1.000000e+00 : f32
      %broadcast_in_dim3A_209 = vector.broadcast %broadcast_in_dim3A : f32 to vector<16xf32>
      %swap3A = arith.index_cast %add3A_208 : i32 to index
      %swap3A_210 = arith.constant 0 : index
      %swap3A_211 = tpu.vector_load %arg12[%swap3A, %swap3A_210] {strides = array<i32>} : memref<128x16xf32, #tpu.memory_space<vmem>>, vector<1x16xf32>,
      %swap3A_212 = vector.shape_cast %swap3A_211 : vector<1x16xf32> to vector<16xf32>
      %swap3A_213 = vector.shape_cast %broadcast_in_dim3A_209 : vector<16xf32> to vector<1x16xf32>
      tpu.vector_store %arg12[%swap3A, %swap3A_210], %swap3A_213 {strides = array<i32>} : memref<128x16xf32, #tpu.memory_space<vmem>>, vector<1x16xf32>,
    }
    %scan3A_8 = arith.constant 128 : i32
    %scan3A_9 = arith.constant 0 : i32
    %scan3A_10 = arith.constant 640 : i32
    %scan3A_11 = arith.addi %scan3A_9, %scan3A_10 : i32
    %scan3A_12 = arith.constant 1 : i32
    scf.for %scan3A_205 = %scan3A_9 to %scan3A_11 step %scan3A_12  : i32 {
      %mul3A_206 = arith.constant 1 : i32
      %mul3A_207 = arith.muli %scan3A_205, %mul3A_206 : i32
      %add3A = arith.constant 0 : i32
      %add3A_208 = arith.addi %add3A, %mul3A_207 : i32
      %broadcast_in_dim3A = arith.constant 0.000000e+00 : f32
      %broadcast_in_dim3A_209 = vector.broadcast %broadcast_in_dim3A : f32 to vector<16xf32>
      %swap3A = arith.index_cast %add3A_208 : i32 to index
      %swap3A_210 = arith.constant 0 : index
      %swap3A_211 = tpu.vector_load %arg16[%swap3A, %swap3A_210] {strides = array<i32>} : memref<640x16xf32, #tpu.memory_space<vmem>>, vector<1x16xf32>,
      %swap3A_212 = vector.shape_cast %swap3A_211 : vector<1x16xf32> to vector<16xf32>
      %swap3A_213 = vector.shape_cast %broadcast_in_dim3A_209 : vector<16xf32> to vector<1x16xf32>
      tpu.vector_store %arg16[%swap3A, %swap3A_210], %swap3A_213 {strides = array<i32>} : memref<640x16xf32, #tpu.memory_space<vmem>>, vector<1x16xf32>,
    }
    %scan3A_13 = arith.constant 640 : i32
    "tpu.region"() ({
      %run_scoped3A = tpu.sem_alloc : memref<!tpu.dma_semaphore, #tpu.memory_space<semaphore_mem>>
      %dma_start3A_205 = arith.constant 0 : i32
      %dma_start3A_206 = tpu.memref_slice %arg2[%mul3A_0, %dma_start3A_205] : memref<10240x16xf32, #tpu.memory_space<hbm>> -> memref<640x16xf32, #tpu.memory_space<hbm>>
      %dma_start3A_207 = arith.constant 0 : i32
      %dma_start3A_208 = tpu.memref_slice %arg2[%mul3A_0, %dma_start3A_207] : memref<10240x16xf32, #tpu.memory_space<hbm>> -> memref<640x16xf32, #tpu.memory_space<hbm>>
      tpu.enqueue_dma source(%dma_start3A_208 : memref<640x16xf32, #tpu.memory_space<hbm>>) target(%arg15 : memref<640x16xf32, #tpu.memory_space<vmem>>) target_semaphore(%run_scoped3A : memref<!tpu.dma_semaphore, #tpu.memory_space<semaphore_mem>>)
      %dma_wait3A_209 = arith.constant 0 : i32
      %dma_wait3A_210 = tpu.memref_slice %arg2[%mul3A_0, %dma_wait3A_209] : memref<10240x16xf32, #tpu.memory_space<hbm>> -> memref<640x16xf32, #tpu.memory_space<hbm>>
      %dma_wait3A_211 = arith.constant 0 : i32
      %dma_wait3A_212 = tpu.memref_slice %arg2[%mul3A_0, %dma_wait3A_211] : memref<10240x16xf32, #tpu.memory_space<hbm>> -> memref<640x16xf32, #tpu.memory_space<hbm>>
      tpu.wait_dma2 semaphore(%run_scoped3A : memref<!tpu.dma_semaphore, #tpu.memory_space<semaphore_mem>>) src(%dma_wait3A_212 : memref<640x16xf32, #tpu.memory_space<hbm>>) dst(%arg15 : memref<640x16xf32, #tpu.memory_space<vmem>>)
      tpu.yield
    }) : () -> ()
    "tpu.region"() ({
      %run_scoped3A = tpu.sem_alloc : memref<!tpu.dma_semaphore, #tpu.memory_space<semaphore_mem>>
      %dma_start3A_205 = arith.constant 0 : i32
      %dma_start3A_206 = tpu.memref_slice %arg17[%mul3A_0, %dma_start3A_205] : memref<10248x16xf32, #tpu.memory_space<vmem_shared>> -> memref<640x16xf32, #tpu.memory_space<vmem_shared>>
      %dma_start3A_207 = arith.constant 0 : i32
      %dma_start3A_208 = tpu.memref_slice %arg2[%mul3A_0, %dma_start3A_207] : memref<10240x16xf32, #tpu.memory_space<hbm>> -> memref<640x16xf32, #tpu.memory_space<hbm>>
      tpu.enqueue_dma source(%dma_start3A_208 : memref<640x16xf32, #tpu.memory_space<hbm>>) target(%dma_start3A_206 : memref<640x16xf32, #tpu.memory_space<vmem_shared>>) target_semaphore(%run_scoped3A : memref<!tpu.dma_semaphore, #tpu.memory_space<semaphore_mem>>)
      %dma_wait3A_209 = arith.constant 0 : i32
      %dma_wait3A_210 = tpu.memref_slice %arg17[%mul3A_0, %dma_wait3A_209] : memref<10248x16xf32, #tpu.memory_space<vmem_shared>> -> memref<640x16xf32, #tpu.memory_space<vmem_shared>>
      %dma_wait3A_211 = arith.constant 0 : i32
      %dma_wait3A_212 = tpu.memref_slice %arg2[%mul3A_0, %dma_wait3A_211] : memref<10240x16xf32, #tpu.memory_space<hbm>> -> memref<640x16xf32, #tpu.memory_space<hbm>>
      tpu.wait_dma2 semaphore(%run_scoped3A : memref<!tpu.dma_semaphore, #tpu.memory_space<semaphore_mem>>) src(%dma_wait3A_212 : memref<640x16xf32, #tpu.memory_space<hbm>>) dst(%dma_wait3A_210 : memref<640x16xf32, #tpu.memory_space<vmem_shared>>)
      tpu.yield
    }) : () -> ()
    "tpu.region"() ({
      %run_scoped3A = tpu.sem_alloc : memref<!tpu.dma_semaphore, #tpu.memory_space<semaphore_mem>>
      %dma_start3A_205 = arith.constant 0 : i32
      %dma_start3A_206 = tpu.memref_slice %arg18[%mul3A_0, %dma_start3A_205] : memref<10248x16xf32, #tpu.memory_space<vmem_shared>> -> memref<640x16xf32, #tpu.memory_space<vmem_shared>>
      %dma_start3A_207 = arith.constant 0 : i32
      %dma_start3A_208 = tpu.memref_slice %arg18[%mul3A_0, %dma_start3A_207] : memref<10248x16xf32, #tpu.memory_space<vmem_shared>> -> memref<640x16xf32, #tpu.memory_space<vmem_shared>>
      tpu.enqueue_dma source(%arg16 : memref<640x16xf32, #tpu.memory_space<vmem>>) target(%dma_start3A_208 : memref<640x16xf32, #tpu.memory_space<vmem_shared>>) target_semaphore(%run_scoped3A : memref<!tpu.dma_semaphore, #tpu.memory_space<semaphore_mem>>)
      %dma_wait3A_209 = arith.constant 0 : i32
      %dma_wait3A_210 = tpu.memref_slice %arg18[%mul3A_0, %dma_wait3A_209] : memref<10248x16xf32, #tpu.memory_space<vmem_shared>> -> memref<640x16xf32, #tpu.memory_space<vmem_shared>>
      %dma_wait3A_211 = arith.constant 0 : i32
      %dma_wait3A_212 = tpu.memref_slice %arg18[%mul3A_0, %dma_wait3A_211] : memref<10248x16xf32, #tpu.memory_space<vmem_shared>> -> memref<640x16xf32, #tpu.memory_space<vmem_shared>>
      tpu.wait_dma2 semaphore(%run_scoped3A : memref<!tpu.dma_semaphore, #tpu.memory_space<semaphore_mem>>) src(%arg16 : memref<640x16xf32, #tpu.memory_space<vmem>>) dst(%dma_wait3A_212 : memref<640x16xf32, #tpu.memory_space<vmem_shared>>)
      tpu.yield
    }) : () -> ()
    "tpu.region"() ({
      %run_scoped3A = tpu.sem_alloc : memref<!tpu.dma_semaphore, #tpu.memory_space<semaphore_mem>>
      %dma_start3A_205 = arith.constant 0 : i32
      %dma_start3A_206 = tpu.memref_slice %arg19[%mul3A_0, %dma_start3A_205] : memref<10248x16xf32, #tpu.memory_space<vmem_shared>> -> memref<640x16xf32, #tpu.memory_space<vmem_shared>>
      %dma_start3A_207 = arith.constant 0 : i32
      %dma_start3A_208 = tpu.memref_slice %arg19[%mul3A_0, %dma_start3A_207] : memref<10248x16xf32, #tpu.memory_space<vmem_shared>> -> memref<640x16xf32, #tpu.memory_space<vmem_shared>>
      tpu.enqueue_dma source(%arg16 : memref<640x16xf32, #tpu.memory_space<vmem>>) target(%dma_start3A_208 : memref<640x16xf32, #tpu.memory_space<vmem_shared>>) target_semaphore(%run_scoped3A : memref<!tpu.dma_semaphore, #tpu.memory_space<semaphore_mem>>)
      %dma_wait3A_209 = arith.constant 0 : i32
      %dma_wait3A_210 = tpu.memref_slice %arg19[%mul3A_0, %dma_wait3A_209] : memref<10248x16xf32, #tpu.memory_space<vmem_shared>> -> memref<640x16xf32, #tpu.memory_space<vmem_shared>>
      %dma_wait3A_211 = arith.constant 0 : i32
      %dma_wait3A_212 = tpu.memref_slice %arg19[%mul3A_0, %dma_wait3A_211] : memref<10248x16xf32, #tpu.memory_space<vmem_shared>> -> memref<640x16xf32, #tpu.memory_space<vmem_shared>>
      tpu.wait_dma2 semaphore(%run_scoped3A : memref<!tpu.dma_semaphore, #tpu.memory_space<semaphore_mem>>) src(%arg16 : memref<640x16xf32, #tpu.memory_space<vmem>>) dst(%dma_wait3A_212 : memref<640x16xf32, #tpu.memory_space<vmem_shared>>)
      tpu.yield
    }) : () -> ()
    %barrier3A = arith.constant 0 : index
    tpu.barrier barrier_id(%barrier3A)
    %dma_start3A = arith.constant 0 : i32
    %dma_start3A_14 = arith.constant 0 : i32
    %dma_start3A_15 = tpu.memref_slice %arg6[%dma_start3A, %dma_start3A_14] : memref<160x128xi32, #tpu.memory_space<vmem>> -> memref<1x128xi32, #tpu.memory_space<vmem>>
    %dma_start3A_16 = tpu.memref_squeeze %dma_start3A_15 : memref<1x128xi32, #tpu.memory_space<vmem>> -> memref<128xi32, #tpu.memory_space<vmem>>
    %dma_start3A_17 = arith.constant 0 : i32
    %dma_start3A_18 = arith.constant 0 : i32
    %dma_start3A_19 = tpu.memref_slice %arg17[%dma_start3A_17, %dma_start3A_18] : memref<10248x16xf32, #tpu.memory_space<vmem_shared>> -> memref<10248x16xf32, #tpu.memory_space<vmem_shared>>
    tpu.enqueue_indirect_dma source(%dma_start3A_19 : memref<10248x16xf32, #tpu.memory_space<vmem_shared>>) target(%arg8 : memref<128x16xf32, #tpu.memory_space<vmem>>) offsets(%dma_start3A_16 : memref<128xi32, #tpu.memory_space<vmem>>) semaphore(%arg20 : memref<!tpu.dma_semaphore, #tpu.memory_space<semaphore_mem>>)
    %dma_start3A_20 = arith.constant 1 : i32
    %dma_start3A_21 = arith.constant 0 : i32
    %dma_start3A_22 = tpu.memref_slice %arg6[%dma_start3A_20, %dma_start3A_21] : memref<160x128xi32, #tpu.memory_space<vmem>> -> memref<1x128xi32, #tpu.memory_space<vmem>>
    %dma_start3A_23 = tpu.memref_squeeze %dma_start3A_22 : memref<1x128xi32, #tpu.memory_space<vmem>> -> memref<128xi32, #tpu.memory_space<vmem>>
    %dma_start3A_24 = arith.constant 0 : i32
    %dma_start3A_25 = arith.constant 0 : i32
    %dma_start3A_26 = tpu.memref_slice %arg17[%dma_start3A_24, %dma_start3A_25] : memref<10248x16xf32, #tpu.memory_space<vmem_shared>> -> memref<10248x16xf32, #tpu.memory_space<vmem_shared>>
    tpu.enqueue_indirect_dma source(%dma_start3A_26 : memref<10248x16xf32, #tpu.memory_space<vmem_shared>>) target(%arg9 : memref<128x16xf32, #tpu.memory_space<vmem>>) offsets(%dma_start3A_23 : memref<128xi32, #tpu.memory_space<vmem>>) semaphore(%arg21 : memref<!tpu.dma_semaphore, #tpu.memory_space<semaphore_mem>>)
    %dma_start3A_27 = arith.constant 2 : i32
    %dma_start3A_28 = arith.constant 0 : i32
    %dma_start3A_29 = tpu.memref_slice %arg6[%dma_start3A_27, %dma_start3A_28] : memref<160x128xi32, #tpu.memory_space<vmem>> -> memref<1x128xi32, #tpu.memory_space<vmem>>
    %dma_start3A_30 = tpu.memref_squeeze %dma_start3A_29 : memref<1x128xi32, #tpu.memory_space<vmem>> -> memref<128xi32, #tpu.memory_space<vmem>>
    %dma_start3A_31 = arith.constant 0 : i32
    %dma_start3A_32 = arith.constant 0 : i32
    %dma_start3A_33 = tpu.memref_slice %arg17[%dma_start3A_31, %dma_start3A_32] : memref<10248x16xf32, #tpu.memory_space<vmem_shared>> -> memref<10248x16xf32, #tpu.memory_space<vmem_shared>>
    tpu.enqueue_indirect_dma source(%dma_start3A_33 : memref<10248x16xf32, #tpu.memory_space<vmem_shared>>) target(%arg10 : memref<128x16xf32, #tpu.memory_space<vmem>>) offsets(%dma_start3A_30 : memref<128xi32, #tpu.memory_space<vmem>>) semaphore(%arg22 : memref<!tpu.dma_semaphore, #tpu.memory_space<semaphore_mem>>)
    %scan3A_34 = arith.constant 0 : i32
    %scan3A_35 = arith.constant 40 : i32
    %scan3A_36 = arith.addi %scan3A_34, %scan3A_35 : i32
    %scan3A_37 = arith.constant 1 : i32
    scf.for %scan3A_205 = %scan3A_34 to %scan3A_36 step %scan3A_37  : i32 {
      %mul3A_206 = arith.constant 1 : i32
      %mul3A_207 = arith.muli %scan3A_205, %mul3A_206 : i32
      %add3A = arith.constant 0 : i32
      %add3A_208 = arith.addi %add3A, %mul3A_207 : i32
      %mul3A_209 = arith.constant 4 : i32
      %mul3A_210 = arith.muli %mul3A_209, %add3A_208 : i32
      %add3A_211 = arith.constant 0 : i32
      %add3A_212 = arith.addi %mul3A_210, %add3A_211 : i32
      %dma_wait3A_213 = arith.constant 0 : i32
      %dma_wait3A_214 = tpu.memref_slice %arg6[%add3A_212, %dma_wait3A_213] : memref<160x128xi32, #tpu.memory_space<vmem>> -> memref<1x128xi32, #tpu.memory_space<vmem>>
      %dma_wait3A_215 = tpu.memref_squeeze %dma_wait3A_214 : memref<1x128xi32, #tpu.memory_space<vmem>> -> memref<128xi32, #tpu.memory_space<vmem>>
      %dma_wait3A_216 = arith.constant 0 : i32
      %dma_wait3A_217 = arith.constant 0 : i32
      %dma_wait3A_218 = tpu.memref_slice %arg17[%dma_wait3A_216, %dma_wait3A_217] : memref<10248x16xf32, #tpu.memory_space<vmem_shared>> -> memref<10248x16xf32, #tpu.memory_space<vmem_shared>>
      tpu.wait_indirect_dma semaphore(%arg20 : memref<!tpu.dma_semaphore, #tpu.memory_space<semaphore_mem>>) src(%dma_wait3A_218 : memref<10248x16xf32, #tpu.memory_space<vmem_shared>>) dst(%arg8 : memref<128x16xf32, #tpu.memory_space<vmem>>)
      %dma_start3A_219 = arith.constant 0 : i32
      %dma_start3A_220 = tpu.memref_slice %arg7[%add3A_212, %dma_start3A_219] : memref<160x128xi32, #tpu.memory_space<vmem>> -> memref<1x128xi32, #tpu.memory_space<vmem>>
      %dma_start3A_221 = tpu.memref_squeeze %dma_start3A_220 : memref<1x128xi32, #tpu.memory_space<vmem>> -> memref<128xi32, #tpu.memory_space<vmem>>
      %dma_start3A_222 = arith.constant 0 : i32
      %dma_start3A_223 = arith.constant 0 : i32
      %dma_start3A_224 = tpu.memref_slice %arg18[%dma_start3A_222, %dma_start3A_223] : memref<10248x16xf32, #tpu.memory_space<vmem_shared>> -> memref<10248x16xf32, #tpu.memory_space<vmem_shared>>
      tpu.enqueue_indirect_dma source(%arg8 : memref<128x16xf32, #tpu.memory_space<vmem>>) target(%dma_start3A_224 : memref<10248x16xf32, #tpu.memory_space<vmem_shared>>) offsets(%dma_start3A_221 : memref<128xi32, #tpu.memory_space<vmem>>) semaphore(%arg24 : memref<!tpu.dma_semaphore, #tpu.memory_space<semaphore_mem>>) {add = true}
      %dma_start3A_225 = arith.constant 0 : i32
      %dma_start3A_226 = tpu.memref_slice %arg7[%add3A_212, %dma_start3A_225] : memref<160x128xi32, #tpu.memory_space<vmem>> -> memref<1x128xi32, #tpu.memory_space<vmem>>
      %dma_start3A_227 = tpu.memref_squeeze %dma_start3A_226 : memref<1x128xi32, #tpu.memory_space<vmem>> -> memref<128xi32, #tpu.memory_space<vmem>>
      %dma_start3A_228 = arith.constant 0 : i32
      %dma_start3A_229 = arith.constant 0 : i32
      %dma_start3A_230 = tpu.memref_slice %arg19[%dma_start3A_228, %dma_start3A_229] : memref<10248x16xf32, #tpu.memory_space<vmem_shared>> -> memref<10248x16xf32, #tpu.memory_space<vmem_shared>>
      tpu.enqueue_indirect_dma source(%arg12 : memref<128x16xf32, #tpu.memory_space<vmem>>) target(%dma_start3A_230 : memref<10248x16xf32, #tpu.memory_space<vmem_shared>>) offsets(%dma_start3A_227 : memref<128xi32, #tpu.memory_space<vmem>>) semaphore(%arg28 : memref<!tpu.dma_semaphore, #tpu.memory_space<semaphore_mem>>) {add = true}
      %add3A_231 = arith.constant 4 : i32
      %add3A_232 = arith.addi %add3A_212, %add3A_231 : i32
      %sub3A = arith.constant 1 : i32
      %sub3A_233 = arith.subi %add3A_232, %sub3A : i32
      %lt3A = arith.constant 160 : i32
      %lt3A_234 = arith.cmpi slt, %sub3A_233, %lt3A : i32
      %convert_element_type3A = arith.extui %lt3A_234 : i1 to i32
      %cond3A = arith.constant 0 : i32
      %cond3A_235 = arith.cmpi ne, %convert_element_type3A, %cond3A : i32
      scf.if %cond3A_235 {
        %gt3A = arith.constant 0 : i32
        %gt3A_329 = arith.cmpi sgt, %add3A_212, %gt3A : i32
        %convert_element_type3A_330 = arith.extui %gt3A_329 : i1 to i32
        %cond3A_331 = arith.constant 0 : i32
        %cond3A_332 = arith.cmpi ne, %convert_element_type3A_330, %cond3A_331 : i32
        scf.if %cond3A_332 {
          %dma_wait3A_343 = arith.constant 0 : i32
          %dma_wait3A_344 = arith.constant 0 : i32
          %dma_wait3A_345 = tpu.memref_slice %arg7[%dma_wait3A_343, %dma_wait3A_344] : memref<160x128xi32, #tpu.memory_space<vmem>> -> memref<1x128xi32, #tpu.memory_space<vmem>>
          %dma_wait3A_346 = tpu.memref_squeeze %dma_wait3A_345 : memref<1x128xi32, #tpu.memory_space<vmem>> -> memref<128xi32, #tpu.memory_space<vmem>>
          %dma_wait3A_347 = arith.constant 0 : i32
          %dma_wait3A_348 = arith.constant 0 : i32
          %dma_wait3A_349 = tpu.memref_slice %arg18[%dma_wait3A_347, %dma_wait3A_348] : memref<10248x16xf32, #tpu.memory_space<vmem_shared>> -> memref<10248x16xf32, #tpu.memory_space<vmem_shared>>
          tpu.wait_indirect_dma semaphore(%arg27 : memref<!tpu.dma_semaphore, #tpu.memory_space<semaphore_mem>>) src(%arg11 : memref<128x16xf32, #tpu.memory_space<vmem>>) dst(%dma_wait3A_349 : memref<10248x16xf32, #tpu.memory_space<vmem_shared>>)
        } else {
        }
        %add3A_333 = arith.constant 4 : i32
        %add3A_334 = arith.addi %add3A_212, %add3A_333 : i32
        %sub3A_335 = arith.constant 1 : i32
        %sub3A_336 = arith.subi %add3A_334, %sub3A_335 : i32
        %dma_start3A_337 = arith.constant 0 : i32
        %dma_start3A_338 = tpu.memref_slice %arg6[%sub3A_336, %dma_start3A_337] : memref<160x128xi32, #tpu.memory_space<vmem>> -> memref<1x128xi32, #tpu.memory_space<vmem>>
        %dma_start3A_339 = tpu.memref_squeeze %dma_start3A_338 : memref<1x128xi32, #tpu.memory_space<vmem>> -> memref<128xi32, #tpu.memory_space<vmem>>
        %dma_start3A_340 = arith.constant 0 : i32
        %dma_start3A_341 = arith.constant 0 : i32
        %dma_start3A_342 = tpu.memref_slice %arg17[%dma_start3A_340, %dma_start3A_341] : memref<10248x16xf32, #tpu.memory_space<vmem_shared>> -> memref<10248x16xf32, #tpu.memory_space<vmem_shared>>
        tpu.enqueue_indirect_dma source(%dma_start3A_342 : memref<10248x16xf32, #tpu.memory_space<vmem_shared>>) target(%arg11 : memref<128x16xf32, #tpu.memory_space<vmem>>) offsets(%dma_start3A_339 : memref<128xi32, #tpu.memory_space<vmem>>) semaphore(%arg23 : memref<!tpu.dma_semaphore, #tpu.memory_space<semaphore_mem>>)
      } else {
      }
      %mul3A_236 = arith.constant 4 : i32
      %mul3A_237 = arith.muli %mul3A_236, %add3A_208 : i32
      %add3A_238 = arith.constant 1 : i32
      %add3A_239 = arith.addi %mul3A_237, %add3A_238 : i32
      %dma_wait3A_240 = arith.constant 0 : i32
      %dma_wait3A_241 = tpu.memref_slice %arg6[%add3A_239, %dma_wait3A_240] : memref<160x128xi32, #tpu.memory_space<vmem>> -> memref<1x128xi32, #tpu.memory_space<vmem>>
      %dma_wait3A_242 = tpu.memref_squeeze %dma_wait3A_241 : memref<1x128xi32, #tpu.memory_space<vmem>> -> memref<128xi32, #tpu.memory_space<vmem>>
      %dma_wait3A_243 = arith.constant 0 : i32
      %dma_wait3A_244 = arith.constant 0 : i32
      %dma_wait3A_245 = tpu.memref_slice %arg17[%dma_wait3A_243, %dma_wait3A_244] : memref<10248x16xf32, #tpu.memory_space<vmem_shared>> -> memref<10248x16xf32, #tpu.memory_space<vmem_shared>>
      tpu.wait_indirect_dma semaphore(%arg21 : memref<!tpu.dma_semaphore, #tpu.memory_space<semaphore_mem>>) src(%dma_wait3A_245 : memref<10248x16xf32, #tpu.memory_space<vmem_shared>>) dst(%arg9 : memref<128x16xf32, #tpu.memory_space<vmem>>)
      %dma_start3A_246 = arith.constant 0 : i32
      %dma_start3A_247 = tpu.memref_slice %arg7[%add3A_239, %dma_start3A_246] : memref<160x128xi32, #tpu.memory_space<vmem>> -> memref<1x128xi32, #tpu.memory_space<vmem>>
      %dma_start3A_248 = tpu.memref_squeeze %dma_start3A_247 : memref<1x128xi32, #tpu.memory_space<vmem>> -> memref<128xi32, #tpu.memory_space<vmem>>
      %dma_start3A_249 = arith.constant 0 : i32
      %dma_start3A_250 = arith.constant 0 : i32
      %dma_start3A_251 = tpu.memref_slice %arg18[%dma_start3A_249, %dma_start3A_250] : memref<10248x16xf32, #tpu.memory_space<vmem_shared>> -> memref<10248x16xf32, #tpu.memory_space<vmem_shared>>
      tpu.enqueue_indirect_dma source(%arg9 : memref<128x16xf32, #tpu.memory_space<vmem>>) target(%dma_start3A_251 : memref<10248x16xf32, #tpu.memory_space<vmem_shared>>) offsets(%dma_start3A_248 : memref<128xi32, #tpu.memory_space<vmem>>) semaphore(%arg25 : memref<!tpu.dma_semaphore, #tpu.memory_space<semaphore_mem>>) {add = true}
      %dma_start3A_252 = arith.constant 0 : i32
      %dma_start3A_253 = tpu.memref_slice %arg7[%add3A_239, %dma_start3A_252] : memref<160x128xi32, #tpu.memory_space<vmem>> -> memref<1x128xi32, #tpu.memory_space<vmem>>
      %dma_start3A_254 = tpu.memref_squeeze %dma_start3A_253 : memref<1x128xi32, #tpu.memory_space<vmem>> -> memref<128xi32, #tpu.memory_space<vmem>>
      %dma_start3A_255 = arith.constant 0 : i32
      %dma_start3A_256 = arith.constant 0 : i32
      %dma_start3A_257 = tpu.memref_slice %arg19[%dma_start3A_255, %dma_start3A_256] : memref<10248x16xf32, #tpu.memory_space<vmem_shared>> -> memref<10248x16xf32, #tpu.memory_space<vmem_shared>>
      tpu.enqueue_indirect_dma source(%arg12 : memref<128x16xf32, #tpu.memory_space<vmem>>) target(%dma_start3A_257 : memref<10248x16xf32, #tpu.memory_space<vmem_shared>>) offsets(%dma_start3A_254 : memref<128xi32, #tpu.memory_space<vmem>>) semaphore(%arg28 : memref<!tpu.dma_semaphore, #tpu.memory_space<semaphore_mem>>) {add = true}
      %add3A_258 = arith.constant 4 : i32
      %add3A_259 = arith.addi %add3A_239, %add3A_258 : i32
      %sub3A_260 = arith.constant 1 : i32
      %sub3A_261 = arith.subi %add3A_259, %sub3A_260 : i32
      %lt3A_262 = arith.constant 160 : i32
      %lt3A_263 = arith.cmpi slt, %sub3A_261, %lt3A_262 : i32
      %convert_element_type3A_264 = arith.extui %lt3A_263 : i1 to i32
      %cond3A_265 = arith.constant 0 : i32
      %cond3A_266 = arith.cmpi ne, %convert_element_type3A_264, %cond3A_265 : i32
      scf.if %cond3A_266 {
        %gt3A = arith.constant 0 : i32
        %gt3A_329 = arith.cmpi sgt, %add3A_239, %gt3A : i32
        %convert_element_type3A_330 = arith.extui %gt3A_329 : i1 to i32
        %cond3A_331 = arith.constant 0 : i32
        %cond3A_332 = arith.cmpi ne, %convert_element_type3A_330, %cond3A_331 : i32
        scf.if %cond3A_332 {
          %dma_wait3A_343 = arith.constant 0 : i32
          %dma_wait3A_344 = arith.constant 0 : i32
          %dma_wait3A_345 = tpu.memref_slice %arg7[%dma_wait3A_343, %dma_wait3A_344] : memref<160x128xi32, #tpu.memory_space<vmem>> -> memref<1x128xi32, #tpu.memory_space<vmem>>
          %dma_wait3A_346 = tpu.memref_squeeze %dma_wait3A_345 : memref<1x128xi32, #tpu.memory_space<vmem>> -> memref<128xi32, #tpu.memory_space<vmem>>
          %dma_wait3A_347 = arith.constant 0 : i32
          %dma_wait3A_348 = arith.constant 0 : i32
          %dma_wait3A_349 = tpu.memref_slice %arg18[%dma_wait3A_347, %dma_wait3A_348] : memref<10248x16xf32, #tpu.memory_space<vmem_shared>> -> memref<10248x16xf32, #tpu.memory_space<vmem_shared>>
          tpu.wait_indirect_dma semaphore(%arg24 : memref<!tpu.dma_semaphore, #tpu.memory_space<semaphore_mem>>) src(%arg8 : memref<128x16xf32, #tpu.memory_space<vmem>>) dst(%dma_wait3A_349 : memref<10248x16xf32, #tpu.memory_space<vmem_shared>>)
        } else {
        }
        %add3A_333 = arith.constant 4 : i32
        %add3A_334 = arith.addi %add3A_239, %add3A_333 : i32
        %sub3A_335 = arith.constant 1 : i32
        %sub3A_336 = arith.subi %add3A_334, %sub3A_335 : i32
        %dma_start3A_337 = arith.constant 0 : i32
        %dma_start3A_338 = tpu.memref_slice %arg6[%sub3A_336, %dma_start3A_337] : memref<160x128xi32, #tpu.memory_space<vmem>> -> memref<1x128xi32, #tpu.memory_space<vmem>>
        %dma_start3A_339 = tpu.memref_squeeze %dma_start3A_338 : memref<1x128xi32, #tpu.memory_space<vmem>> -> memref<128xi32, #tpu.memory_space<vmem>>
        %dma_start3A_340 = arith.constant 0 : i32
        %dma_start3A_341 = arith.constant 0 : i32
        %dma_start3A_342 = tpu.memref_slice %arg17[%dma_start3A_340, %dma_start3A_341] : memref<10248x16xf32, #tpu.memory_space<vmem_shared>> -> memref<10248x16xf32, #tpu.memory_space<vmem_shared>>
        tpu.enqueue_indirect_dma source(%dma_start3A_342 : memref<10248x16xf32, #tpu.memory_space<vmem_shared>>) target(%arg8 : memref<128x16xf32, #tpu.memory_space<vmem>>) offsets(%dma_start3A_339 : memref<128xi32, #tpu.memory_space<vmem>>) semaphore(%arg20 : memref<!tpu.dma_semaphore, #tpu.memory_space<semaphore_mem>>)
      } else {
      }
      %mul3A_267 = arith.constant 4 : i32
      %mul3A_268 = arith.muli %mul3A_267, %add3A_208 : i32
      %add3A_269 = arith.constant 2 : i32
      %add3A_270 = arith.addi %mul3A_268, %add3A_269 : i32
      %dma_wait3A_271 = arith.constant 0 : i32
      %dma_wait3A_272 = tpu.memref_slice %arg6[%add3A_270, %dma_wait3A_271] : memref<160x128xi32, #tpu.memory_space<vmem>> -> memref<1x128xi32, #tpu.memory_space<vmem>>
      %dma_wait3A_273 = tpu.memref_squeeze %dma_wait3A_272 : memref<1x128xi32, #tpu.memory_space<vmem>> -> memref<128xi32, #tpu.memory_space<vmem>>
      %dma_wait3A_274 = arith.constant 0 : i32
      %dma_wait3A_275 = arith.constant 0 : i32
      %dma_wait3A_276 = tpu.memref_slice %arg17[%dma_wait3A_274, %dma_wait3A_275] : memref<10248x16xf32, #tpu.memory_space<vmem_shared>> -> memref<10248x16xf32, #tpu.memory_space<vmem_shared>>
      tpu.wait_indirect_dma semaphore(%arg22 : memref<!tpu.dma_semaphore, #tpu.memory_space<semaphore_mem>>) src(%dma_wait3A_276 : memref<10248x16xf32, #tpu.memory_space<vmem_shared>>) dst(%arg10 : memref<128x16xf32, #tpu.memory_space<vmem>>)
      %dma_start3A_277 = arith.constant 0 : i32
      %dma_start3A_278 = tpu.memref_slice %arg7[%add3A_270, %dma_start3A_277] : memref<160x128xi32, #tpu.memory_space<vmem>> -> memref<1x128xi32, #tpu.memory_space<vmem>>
      %dma_start3A_279 = tpu.memref_squeeze %dma_start3A_278 : memref<1x128xi32, #tpu.memory_space<vmem>> -> memref<128xi32, #tpu.memory_space<vmem>>
      %dma_start3A_280 = arith.constant 0 : i32
      %dma_start3A_281 = arith.constant 0 : i32
      %dma_start3A_282 = tpu.memref_slice %arg18[%dma_start3A_280, %dma_start3A_281] : memref<10248x16xf32, #tpu.memory_space<vmem_shared>> -> memref<10248x16xf32, #tpu.memory_space<vmem_shared>>
      tpu.enqueue_indirect_dma source(%arg10 : memref<128x16xf32, #tpu.memory_space<vmem>>) target(%dma_start3A_282 : memref<10248x16xf32, #tpu.memory_space<vmem_shared>>) offsets(%dma_start3A_279 : memref<128xi32, #tpu.memory_space<vmem>>) semaphore(%arg26 : memref<!tpu.dma_semaphore, #tpu.memory_space<semaphore_mem>>) {add = true}
      %dma_start3A_283 = arith.constant 0 : i32
      %dma_start3A_284 = tpu.memref_slice %arg7[%add3A_270, %dma_start3A_283] : memref<160x128xi32, #tpu.memory_space<vmem>> -> memref<1x128xi32, #tpu.memory_space<vmem>>
      %dma_start3A_285 = tpu.memref_squeeze %dma_start3A_284 : memref<1x128xi32, #tpu.memory_space<vmem>> -> memref<128xi32, #tpu.memory_space<vmem>>
      %dma_start3A_286 = arith.constant 0 : i32
      %dma_start3A_287 = arith.constant 0 : i32
      %dma_start3A_288 = tpu.memref_slice %arg19[%dma_start3A_286, %dma_start3A_287] : memref<10248x16xf32, #tpu.memory_space<vmem_shared>> -> memref<10248x16xf32, #tpu.memory_space<vmem_shared>>
      tpu.enqueue_indirect_dma source(%arg12 : memref<128x16xf32, #tpu.memory_space<vmem>>) target(%dma_start3A_288 : memref<10248x16xf32, #tpu.memory_space<vmem_shared>>) offsets(%dma_start3A_285 : memref<128xi32, #tpu.memory_space<vmem>>) semaphore(%arg28 : memref<!tpu.dma_semaphore, #tpu.memory_space<semaphore_mem>>) {add = true}
      %add3A_289 = arith.constant 4 : i32
      %add3A_290 = arith.addi %add3A_270, %add3A_289 : i32
      %sub3A_291 = arith.constant 1 : i32
      %sub3A_292 = arith.subi %add3A_290, %sub3A_291 : i32
      %lt3A_293 = arith.constant 160 : i32
      %lt3A_294 = arith.cmpi slt, %sub3A_292, %lt3A_293 : i32
      %convert_element_type3A_295 = arith.extui %lt3A_294 : i1 to i32
      %cond3A_296 = arith.constant 0 : i32
      %cond3A_297 = arith.cmpi ne, %convert_element_type3A_295, %cond3A_296 : i32
      scf.if %cond3A_297 {
        %gt3A = arith.constant 0 : i32
        %gt3A_329 = arith.cmpi sgt, %add3A_270, %gt3A : i32
        %convert_element_type3A_330 = arith.extui %gt3A_329 : i1 to i32
        %cond3A_331 = arith.constant 0 : i32
        %cond3A_332 = arith.cmpi ne, %convert_element_type3A_330, %cond3A_331 : i32
        scf.if %cond3A_332 {
          %dma_wait3A_343 = arith.constant 0 : i32
          %dma_wait3A_344 = arith.constant 0 : i32
          %dma_wait3A_345 = tpu.memref_slice %arg7[%dma_wait3A_343, %dma_wait3A_344] : memref<160x128xi32, #tpu.memory_space<vmem>> -> memref<1x128xi32, #tpu.memory_space<vmem>>
          %dma_wait3A_346 = tpu.memref_squeeze %dma_wait3A_345 : memref<1x128xi32, #tpu.memory_space<vmem>> -> memref<128xi32, #tpu.memory_space<vmem>>
          %dma_wait3A_347 = arith.constant 0 : i32
          %dma_wait3A_348 = arith.constant 0 : i32
          %dma_wait3A_349 = tpu.memref_slice %arg18[%dma_wait3A_347, %dma_wait3A_348] : memref<10248x16xf32, #tpu.memory_space<vmem_shared>> -> memref<10248x16xf32, #tpu.memory_space<vmem_shared>>
          tpu.wait_indirect_dma semaphore(%arg25 : memref<!tpu.dma_semaphore, #tpu.memory_space<semaphore_mem>>) src(%arg9 : memref<128x16xf32, #tpu.memory_space<vmem>>) dst(%dma_wait3A_349 : memref<10248x16xf32, #tpu.memory_space<vmem_shared>>)
        } else {
        }
        %add3A_333 = arith.constant 4 : i32
        %add3A_334 = arith.addi %add3A_270, %add3A_333 : i32
        %sub3A_335 = arith.constant 1 : i32
        %sub3A_336 = arith.subi %add3A_334, %sub3A_335 : i32
        %dma_start3A_337 = arith.constant 0 : i32
        %dma_start3A_338 = tpu.memref_slice %arg6[%sub3A_336, %dma_start3A_337] : memref<160x128xi32, #tpu.memory_space<vmem>> -> memref<1x128xi32, #tpu.memory_space<vmem>>
        %dma_start3A_339 = tpu.memref_squeeze %dma_start3A_338 : memref<1x128xi32, #tpu.memory_space<vmem>> -> memref<128xi32, #tpu.memory_space<vmem>>
        %dma_start3A_340 = arith.constant 0 : i32
        %dma_start3A_341 = arith.constant 0 : i32
        %dma_start3A_342 = tpu.memref_slice %arg17[%dma_start3A_340, %dma_start3A_341] : memref<10248x16xf32, #tpu.memory_space<vmem_shared>> -> memref<10248x16xf32, #tpu.memory_space<vmem_shared>>
        tpu.enqueue_indirect_dma source(%dma_start3A_342 : memref<10248x16xf32, #tpu.memory_space<vmem_shared>>) target(%arg9 : memref<128x16xf32, #tpu.memory_space<vmem>>) offsets(%dma_start3A_339 : memref<128xi32, #tpu.memory_space<vmem>>) semaphore(%arg21 : memref<!tpu.dma_semaphore, #tpu.memory_space<semaphore_mem>>)
      } else {
      }
      %mul3A_298 = arith.constant 4 : i32
      %mul3A_299 = arith.muli %mul3A_298, %add3A_208 : i32
      %add3A_300 = arith.constant 3 : i32
      %add3A_301 = arith.addi %mul3A_299, %add3A_300 : i32
      %dma_wait3A_302 = arith.constant 0 : i32
      %dma_wait3A_303 = tpu.memref_slice %arg6[%add3A_301, %dma_wait3A_302] : memref<160x128xi32, #tpu.memory_space<vmem>> -> memref<1x128xi32, #tpu.memory_space<vmem>>
      %dma_wait3A_304 = tpu.memref_squeeze %dma_wait3A_303 : memref<1x128xi32, #tpu.memory_space<vmem>> -> memref<128xi32, #tpu.memory_space<vmem>>
      %dma_wait3A_305 = arith.constant 0 : i32
      %dma_wait3A_306 = arith.constant 0 : i32
      %dma_wait3A_307 = tpu.memref_slice %arg17[%dma_wait3A_305, %dma_wait3A_306] : memref<10248x16xf32, #tpu.memory_space<vmem_shared>> -> memref<10248x16xf32, #tpu.memory_space<vmem_shared>>
      tpu.wait_indirect_dma semaphore(%arg23 : memref<!tpu.dma_semaphore, #tpu.memory_space<semaphore_mem>>) src(%dma_wait3A_307 : memref<10248x16xf32, #tpu.memory_space<vmem_shared>>) dst(%arg11 : memref<128x16xf32, #tpu.memory_space<vmem>>)
      %dma_start3A_308 = arith.constant 0 : i32
      %dma_start3A_309 = tpu.memref_slice %arg7[%add3A_301, %dma_start3A_308] : memref<160x128xi32, #tpu.memory_space<vmem>> -> memref<1x128xi32, #tpu.memory_space<vmem>>
      %dma_start3A_310 = tpu.memref_squeeze %dma_start3A_309 : memref<1x128xi32, #tpu.memory_space<vmem>> -> memref<128xi32, #tpu.memory_space<vmem>>
      %dma_start3A_311 = arith.constant 0 : i32
      %dma_start3A_312 = arith.constant 0 : i32
      %dma_start3A_313 = tpu.memref_slice %arg18[%dma_start3A_311, %dma_start3A_312] : memref<10248x16xf32, #tpu.memory_space<vmem_shared>> -> memref<10248x16xf32, #tpu.memory_space<vmem_shared>>
      tpu.enqueue_indirect_dma source(%arg11 : memref<128x16xf32, #tpu.memory_space<vmem>>) target(%dma_start3A_313 : memref<10248x16xf32, #tpu.memory_space<vmem_shared>>) offsets(%dma_start3A_310 : memref<128xi32, #tpu.memory_space<vmem>>) semaphore(%arg27 : memref<!tpu.dma_semaphore, #tpu.memory_space<semaphore_mem>>) {add = true}
      %dma_start3A_314 = arith.constant 0 : i32
      %dma_start3A_315 = tpu.memref_slice %arg7[%add3A_301, %dma_start3A_314] : memref<160x128xi32, #tpu.memory_space<vmem>> -> memref<1x128xi32, #tpu.memory_space<vmem>>
      %dma_start3A_316 = tpu.memref_squeeze %dma_start3A_315 : memref<1x128xi32, #tpu.memory_space<vmem>> -> memref<128xi32, #tpu.memory_space<vmem>>
      %dma_start3A_317 = arith.constant 0 : i32
      %dma_start3A_318 = arith.constant 0 : i32
      %dma_start3A_319 = tpu.memref_slice %arg19[%dma_start3A_317, %dma_start3A_318] : memref<10248x16xf32, #tpu.memory_space<vmem_shared>> -> memref<10248x16xf32, #tpu.memory_space<vmem_shared>>
      tpu.enqueue_indirect_dma source(%arg12 : memref<128x16xf32, #tpu.memory_space<vmem>>) target(%dma_start3A_319 : memref<10248x16xf32, #tpu.memory_space<vmem_shared>>) offsets(%dma_start3A_316 : memref<128xi32, #tpu.memory_space<vmem>>) semaphore(%arg28 : memref<!tpu.dma_semaphore, #tpu.memory_space<semaphore_mem>>) {add = true}
      %add3A_320 = arith.constant 4 : i32
      %add3A_321 = arith.addi %add3A_301, %add3A_320 : i32
      %sub3A_322 = arith.constant 1 : i32
      %sub3A_323 = arith.subi %add3A_321, %sub3A_322 : i32
      %lt3A_324 = arith.constant 160 : i32
      %lt3A_325 = arith.cmpi slt, %sub3A_323, %lt3A_324 : i32
      %convert_element_type3A_326 = arith.extui %lt3A_325 : i1 to i32
      %cond3A_327 = arith.constant 0 : i32
      %cond3A_328 = arith.cmpi ne, %convert_element_type3A_326, %cond3A_327 : i32
      scf.if %cond3A_328 {
        %gt3A = arith.constant 0 : i32
        %gt3A_329 = arith.cmpi sgt, %add3A_301, %gt3A : i32
        %convert_element_type3A_330 = arith.extui %gt3A_329 : i1 to i32
        %cond3A_331 = arith.constant 0 : i32
        %cond3A_332 = arith.cmpi ne, %convert_element_type3A_330, %cond3A_331 : i32
        scf.if %cond3A_332 {
          %dma_wait3A_343 = arith.constant 0 : i32
          %dma_wait3A_344 = arith.constant 0 : i32
          %dma_wait3A_345 = tpu.memref_slice %arg7[%dma_wait3A_343, %dma_wait3A_344] : memref<160x128xi32, #tpu.memory_space<vmem>> -> memref<1x128xi32, #tpu.memory_space<vmem>>
          %dma_wait3A_346 = tpu.memref_squeeze %dma_wait3A_345 : memref<1x128xi32, #tpu.memory_space<vmem>> -> memref<128xi32, #tpu.memory_space<vmem>>
          %dma_wait3A_347 = arith.constant 0 : i32
          %dma_wait3A_348 = arith.constant 0 : i32
          %dma_wait3A_349 = tpu.memref_slice %arg18[%dma_wait3A_347, %dma_wait3A_348] : memref<10248x16xf32, #tpu.memory_space<vmem_shared>> -> memref<10248x16xf32, #tpu.memory_space<vmem_shared>>
          tpu.wait_indirect_dma semaphore(%arg26 : memref<!tpu.dma_semaphore, #tpu.memory_space<semaphore_mem>>) src(%arg10 : memref<128x16xf32, #tpu.memory_space<vmem>>) dst(%dma_wait3A_349 : memref<10248x16xf32, #tpu.memory_space<vmem_shared>>)
        } else {
        }
        %add3A_333 = arith.constant 4 : i32
        %add3A_334 = arith.addi %add3A_301, %add3A_333 : i32
        %sub3A_335 = arith.constant 1 : i32
        %sub3A_336 = arith.subi %add3A_334, %sub3A_335 : i32
        %dma_start3A_337 = arith.constant 0 : i32
        %dma_start3A_338 = tpu.memref_slice %arg6[%sub3A_336, %dma_start3A_337] : memref<160x128xi32, #tpu.memory_space<vmem>> -> memref<1x128xi32, #tpu.memory_space<vmem>>
        %dma_start3A_339 = tpu.memref_squeeze %dma_start3A_338 : memref<1x128xi32, #tpu.memory_space<vmem>> -> memref<128xi32, #tpu.memory_space<vmem>>
        %dma_start3A_340 = arith.constant 0 : i32
        %dma_start3A_341 = arith.constant 0 : i32
        %dma_start3A_342 = tpu.memref_slice %arg17[%dma_start3A_340, %dma_start3A_341] : memref<10248x16xf32, #tpu.memory_space<vmem_shared>> -> memref<10248x16xf32, #tpu.memory_space<vmem_shared>>
        tpu.enqueue_indirect_dma source(%dma_start3A_342 : memref<10248x16xf32, #tpu.memory_space<vmem_shared>>) target(%arg10 : memref<128x16xf32, #tpu.memory_space<vmem>>) offsets(%dma_start3A_339 : memref<128xi32, #tpu.memory_space<vmem>>) semaphore(%arg22 : memref<!tpu.dma_semaphore, #tpu.memory_space<semaphore_mem>>)
      } else {
      }
    }
    %scan3A_38 = arith.constant 40 : i32
    %dma_wait3A = arith.constant 0 : i32
    %dma_wait3A_39 = arith.constant 0 : i32
    %dma_wait3A_40 = tpu.memref_slice %arg7[%dma_wait3A, %dma_wait3A_39] : memref<160x128xi32, #tpu.memory_space<vmem>> -> memref<1x128xi32, #tpu.memory_space<vmem>>
    %dma_wait3A_41 = tpu.memref_squeeze %dma_wait3A_40 : memref<1x128xi32, #tpu.memory_space<vmem>> -> memref<128xi32, #tpu.memory_space<vmem>>
    %dma_wait3A_42 = arith.constant 0 : i32
    %dma_wait3A_43 = arith.constant 0 : i32
    %dma_wait3A_44 = tpu.memref_slice %arg18[%dma_wait3A_42, %dma_wait3A_43] : memref<10248x16xf32, #tpu.memory_space<vmem_shared>> -> memref<10248x16xf32, #tpu.memory_space<vmem_shared>>
    tpu.wait_indirect_dma semaphore(%arg24 : memref<!tpu.dma_semaphore, #tpu.memory_space<semaphore_mem>>) src(%arg8 : memref<128x16xf32, #tpu.memory_space<vmem>>) dst(%dma_wait3A_44 : memref<10248x16xf32, #tpu.memory_space<vmem_shared>>)
    %dma_wait3A_45 = arith.constant 0 : i32
    %dma_wait3A_46 = arith.constant 0 : i32
    %dma_wait3A_47 = tpu.memref_slice %arg7[%dma_wait3A_45, %dma_wait3A_46] : memref<160x128xi32, #tpu.memory_space<vmem>> -> memref<1x128xi32, #tpu.memory_space<vmem>>
    %dma_wait3A_48 = tpu.memref_squeeze %dma_wait3A_47 : memref<1x128xi32, #tpu.memory_space<vmem>> -> memref<128xi32, #tpu.memory_space<vmem>>
    %dma_wait3A_49 = arith.constant 0 : i32
    %dma_wait3A_50 = arith.constant 0 : i32
    %dma_wait3A_51 = tpu.memref_slice %arg18[%dma_wait3A_49, %dma_wait3A_50] : memref<10248x16xf32, #tpu.memory_space<vmem_shared>> -> memref<10248x16xf32, #tpu.memory_space<vmem_shared>>
    tpu.wait_indirect_dma semaphore(%arg25 : memref<!tpu.dma_semaphore, #tpu.memory_space<semaphore_mem>>) src(%arg9 : memref<128x16xf32, #tpu.memory_space<vmem>>) dst(%dma_wait3A_51 : memref<10248x16xf32, #tpu.memory_space<vmem_shared>>)
    %dma_wait3A_52 = arith.constant 0 : i32
    %dma_wait3A_53 = arith.constant 0 : i32
    %dma_wait3A_54 = tpu.memref_slice %arg7[%dma_wait3A_52, %dma_wait3A_53] : memref<160x128xi32, #tpu.memory_space<vmem>> -> memref<1x128xi32, #tpu.memory_space<vmem>>
    %dma_wait3A_55 = tpu.memref_squeeze %dma_wait3A_54 : memref<1x128xi32, #tpu.memory_space<vmem>> -> memref<128xi32, #tpu.memory_space<vmem>>
    %dma_wait3A_56 = arith.constant 0 : i32
    %dma_wait3A_57 = arith.constant 0 : i32
    %dma_wait3A_58 = tpu.memref_slice %arg18[%dma_wait3A_56, %dma_wait3A_57] : memref<10248x16xf32, #tpu.memory_space<vmem_shared>> -> memref<10248x16xf32, #tpu.memory_space<vmem_shared>>
    tpu.wait_indirect_dma semaphore(%arg26 : memref<!tpu.dma_semaphore, #tpu.memory_space<semaphore_mem>>) src(%arg10 : memref<128x16xf32, #tpu.memory_space<vmem>>) dst(%dma_wait3A_58 : memref<10248x16xf32, #tpu.memory_space<vmem_shared>>)
    %dma_wait3A_59 = arith.constant 0 : i32
    %dma_wait3A_60 = arith.constant 0 : i32
    %dma_wait3A_61 = tpu.memref_slice %arg7[%dma_wait3A_59, %dma_wait3A_60] : memref<160x128xi32, #tpu.memory_space<vmem>> -> memref<1x128xi32, #tpu.memory_space<vmem>>
    %dma_wait3A_62 = tpu.memref_squeeze %dma_wait3A_61 : memref<1x128xi32, #tpu.memory_space<vmem>> -> memref<128xi32, #tpu.memory_space<vmem>>
    %dma_wait3A_63 = arith.constant 0 : i32
    %dma_wait3A_64 = arith.constant 0 : i32
    %dma_wait3A_65 = tpu.memref_slice %arg18[%dma_wait3A_63, %dma_wait3A_64] : memref<10248x16xf32, #tpu.memory_space<vmem_shared>> -> memref<10248x16xf32, #tpu.memory_space<vmem_shared>>
    tpu.wait_indirect_dma semaphore(%arg27 : memref<!tpu.dma_semaphore, #tpu.memory_space<semaphore_mem>>) src(%arg11 : memref<128x16xf32, #tpu.memory_space<vmem>>) dst(%dma_wait3A_65 : memref<10248x16xf32, #tpu.memory_space<vmem_shared>>)
    %scan3A_66 = arith.constant 0 : i32
    %scan3A_67 = arith.constant 160 : i32
    %scan3A_68 = arith.addi %scan3A_66, %scan3A_67 : i32
    %scan3A_69 = arith.constant 1 : i32
    scf.for %scan3A_205 = %scan3A_66 to %scan3A_68 step %scan3A_69  : i32 {
      %mul3A_206 = arith.constant 1 : i32
      %mul3A_207 = arith.muli %scan3A_205, %mul3A_206 : i32
      %add3A = arith.constant 0 : i32
      %add3A_208 = arith.addi %add3A, %mul3A_207 : i32
      %dma_wait3A_209 = arith.constant 0 : i32
      %dma_wait3A_210 = arith.constant 0 : i32
      %dma_wait3A_211 = tpu.memref_slice %arg7[%dma_wait3A_209, %dma_wait3A_210] : memref<160x128xi32, #tpu.memory_space<vmem>> -> memref<1x128xi32, #tpu.memory_space<vmem>>
      %dma_wait3A_212 = tpu.memref_squeeze %dma_wait3A_211 : memref<1x128xi32, #tpu.memory_space<vmem>> -> memref<128xi32, #tpu.memory_space<vmem>>
      %dma_wait3A_213 = arith.constant 0 : i32
      %dma_wait3A_214 = arith.constant 0 : i32
      %dma_wait3A_215 = tpu.memref_slice %arg19[%dma_wait3A_213, %dma_wait3A_214] : memref<10248x16xf32, #tpu.memory_space<vmem_shared>> -> memref<10248x16xf32, #tpu.memory_space<vmem_shared>>
      tpu.wait_indirect_dma semaphore(%arg28 : memref<!tpu.dma_semaphore, #tpu.memory_space<semaphore_mem>>) src(%arg12 : memref<128x16xf32, #tpu.memory_space<vmem>>) dst(%dma_wait3A_215 : memref<10248x16xf32, #tpu.memory_space<vmem_shared>>)
    }
    %scan3A_70 = arith.constant 160 : i32
    %barrier3A_71 = arith.constant 0 : index
    tpu.barrier barrier_id(%barrier3A_71)
    "tpu.region"() ({
      %run_scoped3A = tpu.sem_alloc : memref<!tpu.dma_semaphore, #tpu.memory_space<semaphore_mem>>
      %dma_start3A_205 = arith.constant 0 : i32
      %dma_start3A_206 = tpu.memref_slice %arg19[%mul3A_0, %dma_start3A_205] : memref<10248x16xf32, #tpu.memory_space<vmem_shared>> -> memref<640x16xf32, #tpu.memory_space<vmem_shared>>
      %dma_start3A_207 = arith.constant 0 : i32
      %dma_start3A_208 = tpu.memref_slice %arg19[%mul3A_0, %dma_start3A_207] : memref<10248x16xf32, #tpu.memory_space<vmem_shared>> -> memref<640x16xf32, #tpu.memory_space<vmem_shared>>
      tpu.enqueue_dma source(%dma_start3A_208 : memref<640x16xf32, #tpu.memory_space<vmem_shared>>) target(%arg14 : memref<640x16xf32, #tpu.memory_space<vmem>>) target_semaphore(%run_scoped3A : memref<!tpu.dma_semaphore, #tpu.memory_space<semaphore_mem>>)
      %dma_wait3A_209 = arith.constant 0 : i32
      %dma_wait3A_210 = tpu.memref_slice %arg19[%mul3A_0, %dma_wait3A_209] : memref<10248x16xf32, #tpu.memory_space<vmem_shared>> -> memref<640x16xf32, #tpu.memory_space<vmem_shared>>
      %dma_wait3A_211 = arith.constant 0 : i32
      %dma_wait3A_212 = tpu.memref_slice %arg19[%mul3A_0, %dma_wait3A_211] : memref<10248x16xf32, #tpu.memory_space<vmem_shared>> -> memref<640x16xf32, #tpu.memory_space<vmem_shared>>
      tpu.wait_dma2 semaphore(%run_scoped3A : memref<!tpu.dma_semaphore, #tpu.memory_space<semaphore_mem>>) src(%dma_wait3A_212 : memref<640x16xf32, #tpu.memory_space<vmem_shared>>) dst(%arg14 : memref<640x16xf32, #tpu.memory_space<vmem>>)
      tpu.yield
    }) : () -> ()
    %scan3A_72 = arith.constant 0 : i32
    %scan3A_73 = arith.constant 640 : i32
    %scan3A_74 = arith.addi %scan3A_72, %scan3A_73 : i32
    %scan3A_75 = arith.constant 1 : i32
    scf.for %scan3A_205 = %scan3A_72 to %scan3A_74 step %scan3A_75  : i32 {
      %mul3A_206 = arith.constant 1 : i32
      %mul3A_207 = arith.muli %scan3A_205, %mul3A_206 : i32
      %add3A = arith.constant 0 : i32
      %add3A_208 = arith.addi %add3A, %mul3A_207 : i32
      %get3A = arith.index_cast %add3A_208 : i32 to index
      %get3A_209 = arith.constant 0 : index
      %get3A_210 = tpu.vector_load %arg14[%get3A, %get3A_209] {strides = array<i32>} : memref<640x16xf32, #tpu.memory_space<vmem>>, vector<1x16xf32>,
      %get3A_211 = vector.shape_cast %get3A_210 : vector<1x16xf32> to vector<16xf32>
      %max3A = arith.constant 1.000000e+00 : f32
      %max3A_212 = vector.broadcast %max3A : f32 to vector<16xf32>
      %max3A_213 = arith.maximumf %get3A_211, %max3A_212 : vector<16xf32>
      %div3A = arith.constant 0.899999976 : f32
      %div3A_214 = vector.broadcast %div3A : f32 to vector<16xf32>
      %div3A_215 = arith.divf %div3A_214, %max3A_213 : vector<16xf32>
      %swap3A = arith.index_cast %add3A_208 : i32 to index
      %swap3A_216 = arith.constant 0 : index
      %swap3A_217 = tpu.vector_load %arg14[%swap3A, %swap3A_216] {strides = array<i32>} : memref<640x16xf32, #tpu.memory_space<vmem>>, vector<1x16xf32>,
      %swap3A_218 = vector.shape_cast %swap3A_217 : vector<1x16xf32> to vector<16xf32>
      %swap3A_219 = vector.shape_cast %div3A_215 : vector<16xf32> to vector<1x16xf32>
      tpu.vector_store %arg14[%swap3A, %swap3A_216], %swap3A_219 {strides = array<i32>} : memref<640x16xf32, #tpu.memory_space<vmem>>, vector<1x16xf32>,
    }
    %scan3A_76 = arith.constant 640 : i32
    "tpu.region"() ({
      %run_scoped3A = tpu.sem_alloc : memref<!tpu.dma_semaphore, #tpu.memory_space<semaphore_mem>>
      %dma_start3A_205 = arith.constant 0 : i32
      %dma_start3A_206 = tpu.memref_slice %arg18[%mul3A_0, %dma_start3A_205] : memref<10248x16xf32, #tpu.memory_space<vmem_shared>> -> memref<640x16xf32, #tpu.memory_space<vmem_shared>>
      %dma_start3A_207 = arith.constant 0 : i32
      %dma_start3A_208 = tpu.memref_slice %arg18[%mul3A_0, %dma_start3A_207] : memref<10248x16xf32, #tpu.memory_space<vmem_shared>> -> memref<640x16xf32, #tpu.memory_space<vmem_shared>>
      tpu.enqueue_dma source(%dma_start3A_208 : memref<640x16xf32, #tpu.memory_space<vmem_shared>>) target(%arg13 : memref<640x16xf32, #tpu.memory_space<vmem>>) target_semaphore(%run_scoped3A : memref<!tpu.dma_semaphore, #tpu.memory_space<semaphore_mem>>)
      %dma_wait3A_209 = arith.constant 0 : i32
      %dma_wait3A_210 = tpu.memref_slice %arg18[%mul3A_0, %dma_wait3A_209] : memref<10248x16xf32, #tpu.memory_space<vmem_shared>> -> memref<640x16xf32, #tpu.memory_space<vmem_shared>>
      %dma_wait3A_211 = arith.constant 0 : i32
      %dma_wait3A_212 = tpu.memref_slice %arg18[%mul3A_0, %dma_wait3A_211] : memref<10248x16xf32, #tpu.memory_space<vmem_shared>> -> memref<640x16xf32, #tpu.memory_space<vmem_shared>>
      tpu.wait_dma2 semaphore(%run_scoped3A : memref<!tpu.dma_semaphore, #tpu.memory_space<semaphore_mem>>) src(%dma_wait3A_212 : memref<640x16xf32, #tpu.memory_space<vmem_shared>>) dst(%arg13 : memref<640x16xf32, #tpu.memory_space<vmem>>)
      tpu.yield
    }) : () -> ()
    %scan3A_77 = arith.constant 0 : i32
    %scan3A_78 = arith.constant 640 : i32
    %scan3A_79 = arith.addi %scan3A_77, %scan3A_78 : i32
    %scan3A_80 = arith.constant 1 : i32
    scf.for %scan3A_205 = %scan3A_77 to %scan3A_79 step %scan3A_80  : i32 {
      %mul3A_206 = arith.constant 1 : i32
      %mul3A_207 = arith.muli %scan3A_205, %mul3A_206 : i32
      %add3A = arith.constant 0 : i32
      %add3A_208 = arith.addi %add3A, %mul3A_207 : i32
      %get3A = arith.index_cast %add3A_208 : i32 to index
      %get3A_209 = arith.constant 0 : index
      %get3A_210 = tpu.vector_load %arg13[%get3A, %get3A_209] {strides = array<i32>} : memref<640x16xf32, #tpu.memory_space<vmem>>, vector<1x16xf32>,
      %get3A_211 = vector.shape_cast %get3A_210 : vector<1x16xf32> to vector<16xf32>
      %get3A_212 = arith.index_cast %add3A_208 : i32 to index
      %get3A_213 = arith.constant 0 : index
      %get3A_214 = tpu.vector_load %arg14[%get3A_212, %get3A_213] {strides = array<i32>} : memref<640x16xf32, #tpu.memory_space<vmem>>, vector<1x16xf32>,
      %get3A_215 = vector.shape_cast %get3A_214 : vector<1x16xf32> to vector<16xf32>
      %mul3A_216 = arith.mulf %get3A_211, %get3A_215 : vector<16xf32>
      %get3A_217 = arith.index_cast %add3A_208 : i32 to index
      %get3A_218 = arith.constant 0 : index
      %get3A_219 = tpu.vector_load %arg15[%get3A_217, %get3A_218] {strides = array<i32>} : memref<640x16xf32, #tpu.memory_space<vmem>>, vector<1x16xf32>,
      %get3A_220 = vector.shape_cast %get3A_219 : vector<1x16xf32> to vector<16xf32>
      %mul3A_221 = arith.constant 1.000000e-01 : f32
      %mul3A_222 = vector.broadcast %mul3A_221 : f32 to vector<16xf32>
      %mul3A_223 = arith.mulf %mul3A_222, %get3A_220 : vector<16xf32>
      %add3A_224 = arith.addf %mul3A_216, %mul3A_223 : vector<16xf32>
      %swap3A = arith.index_cast %add3A_208 : i32 to index
      %swap3A_225 = arith.constant 0 : index
      %swap3A_226 = tpu.vector_load %arg13[%swap3A, %swap3A_225] {strides = array<i32>} : memref<640x16xf32, #tpu.memory_space<vmem>>, vector<1x16xf32>,
      %swap3A_227 = vector.shape_cast %swap3A_226 : vector<1x16xf32> to vector<16xf32>
      %swap3A_228 = vector.shape_cast %add3A_224 : vector<16xf32> to vector<1x16xf32>
      tpu.vector_store %arg13[%swap3A, %swap3A_225], %swap3A_228 {strides = array<i32>} : memref<640x16xf32, #tpu.memory_space<vmem>>, vector<1x16xf32>,
    }
    %scan3A_81 = arith.constant 640 : i32
    "tpu.region"() ({
      %run_scoped3A = tpu.sem_alloc : memref<!tpu.dma_semaphore, #tpu.memory_space<semaphore_mem>>
      %dma_start3A_205 = arith.constant 0 : i32
      %dma_start3A_206 = tpu.memref_slice %arg17[%mul3A_0, %dma_start3A_205] : memref<10248x16xf32, #tpu.memory_space<vmem_shared>> -> memref<640x16xf32, #tpu.memory_space<vmem_shared>>
      %dma_start3A_207 = arith.constant 0 : i32
      %dma_start3A_208 = tpu.memref_slice %arg17[%mul3A_0, %dma_start3A_207] : memref<10248x16xf32, #tpu.memory_space<vmem_shared>> -> memref<640x16xf32, #tpu.memory_space<vmem_shared>>
      tpu.enqueue_dma source(%arg13 : memref<640x16xf32, #tpu.memory_space<vmem>>) target(%dma_start3A_208 : memref<640x16xf32, #tpu.memory_space<vmem_shared>>) target_semaphore(%run_scoped3A : memref<!tpu.dma_semaphore, #tpu.memory_space<semaphore_mem>>)
      %dma_wait3A_209 = arith.constant 0 : i32
      %dma_wait3A_210 = tpu.memref_slice %arg17[%mul3A_0, %dma_wait3A_209] : memref<10248x16xf32, #tpu.memory_space<vmem_shared>> -> memref<640x16xf32, #tpu.memory_space<vmem_shared>>
      %dma_wait3A_211 = arith.constant 0 : i32
      %dma_wait3A_212 = tpu.memref_slice %arg17[%mul3A_0, %dma_wait3A_211] : memref<10248x16xf32, #tpu.memory_space<vmem_shared>> -> memref<640x16xf32, #tpu.memory_space<vmem_shared>>
      tpu.wait_dma2 semaphore(%run_scoped3A : memref<!tpu.dma_semaphore, #tpu.memory_space<semaphore_mem>>) src(%arg13 : memref<640x16xf32, #tpu.memory_space<vmem>>) dst(%dma_wait3A_212 : memref<640x16xf32, #tpu.memory_space<vmem_shared>>)
      tpu.yield
    }) : () -> ()
    "tpu.region"() ({
      %run_scoped3A = tpu.sem_alloc : memref<!tpu.dma_semaphore, #tpu.memory_space<semaphore_mem>>
      %dma_start3A_205 = arith.constant 0 : i32
      %dma_start3A_206 = tpu.memref_slice %arg18[%mul3A_0, %dma_start3A_205] : memref<10248x16xf32, #tpu.memory_space<vmem_shared>> -> memref<640x16xf32, #tpu.memory_space<vmem_shared>>
      %dma_start3A_207 = arith.constant 0 : i32
      %dma_start3A_208 = tpu.memref_slice %arg18[%mul3A_0, %dma_start3A_207] : memref<10248x16xf32, #tpu.memory_space<vmem_shared>> -> memref<640x16xf32, #tpu.memory_space<vmem_shared>>
      tpu.enqueue_dma source(%arg16 : memref<640x16xf32, #tpu.memory_space<vmem>>) target(%dma_start3A_208 : memref<640x16xf32, #tpu.memory_space<vmem_shared>>) target_semaphore(%run_scoped3A : memref<!tpu.dma_semaphore, #tpu.memory_space<semaphore_mem>>)
      %dma_wait3A_209 = arith.constant 0 : i32
      %dma_wait3A_210 = tpu.memref_slice %arg18[%mul3A_0, %dma_wait3A_209] : memref<10248x16xf32, #tpu.memory_space<vmem_shared>> -> memref<640x16xf32, #tpu.memory_space<vmem_shared>>
      %dma_wait3A_211 = arith.constant 0 : i32
      %dma_wait3A_212 = tpu.memref_slice %arg18[%mul3A_0, %dma_wait3A_211] : memref<10248x16xf32, #tpu.memory_space<vmem_shared>> -> memref<640x16xf32, #tpu.memory_space<vmem_shared>>
      tpu.wait_dma2 semaphore(%run_scoped3A : memref<!tpu.dma_semaphore, #tpu.memory_space<semaphore_mem>>) src(%arg16 : memref<640x16xf32, #tpu.memory_space<vmem>>) dst(%dma_wait3A_212 : memref<640x16xf32, #tpu.memory_space<vmem_shared>>)
      tpu.yield
    }) : () -> ()
    %barrier3A_82 = arith.constant 0 : index
    tpu.barrier barrier_id(%barrier3A_82)
    %dma_start3A_83 = arith.constant 0 : i32
    %dma_start3A_84 = arith.constant 0 : i32
    %dma_start3A_85 = tpu.memref_slice %arg6[%dma_start3A_83, %dma_start3A_84] : memref<160x128xi32, #tpu.memory_space<vmem>> -> memref<1x128xi32, #tpu.memory_space<vmem>>
    %dma_start3A_86 = tpu.memref_squeeze %dma_start3A_85 : memref<1x128xi32, #tpu.memory_space<vmem>> -> memref<128xi32, #tpu.memory_space<vmem>>
    %dma_start3A_87 = arith.constant 0 : i32
    %dma_start3A_88 = arith.constant 0 : i32
    %dma_start3A_89 = tpu.memref_slice %arg17[%dma_start3A_87, %dma_start3A_88] : memref<10248x16xf32, #tpu.memory_space<vmem_shared>> -> memref<10248x16xf32, #tpu.memory_space<vmem_shared>>
    tpu.enqueue_indirect_dma source(%dma_start3A_89 : memref<10248x16xf32, #tpu.memory_space<vmem_shared>>) target(%arg8 : memref<128x16xf32, #tpu.memory_space<vmem>>) offsets(%dma_start3A_86 : memref<128xi32, #tpu.memory_space<vmem>>) semaphore(%arg20 : memref<!tpu.dma_semaphore, #tpu.memory_space<semaphore_mem>>)
    %dma_start3A_90 = arith.constant 1 : i32
    %dma_start3A_91 = arith.constant 0 : i32
    %dma_start3A_92 = tpu.memref_slice %arg6[%dma_start3A_90, %dma_start3A_91] : memref<160x128xi32, #tpu.memory_space<vmem>> -> memref<1x128xi32, #tpu.memory_space<vmem>>
    %dma_start3A_93 = tpu.memref_squeeze %dma_start3A_92 : memref<1x128xi32, #tpu.memory_space<vmem>> -> memref<128xi32, #tpu.memory_space<vmem>>
    %dma_start3A_94 = arith.constant 0 : i32
    %dma_start3A_95 = arith.constant 0 : i32
    %dma_start3A_96 = tpu.memref_slice %arg17[%dma_start3A_94, %dma_start3A_95] : memref<10248x16xf32, #tpu.memory_space<vmem_shared>> -> memref<10248x16xf32, #tpu.memory_space<vmem_shared>>
    tpu.enqueue_indirect_dma source(%dma_start3A_96 : memref<10248x16xf32, #tpu.memory_space<vmem_shared>>) target(%arg9 : memref<128x16xf32, #tpu.memory_space<vmem>>) offsets(%dma_start3A_93 : memref<128xi32, #tpu.memory_space<vmem>>) semaphore(%arg21 : memref<!tpu.dma_semaphore, #tpu.memory_space<semaphore_mem>>)
    %dma_start3A_97 = arith.constant 2 : i32
    %dma_start3A_98 = arith.constant 0 : i32
    %dma_start3A_99 = tpu.memref_slice %arg6[%dma_start3A_97, %dma_start3A_98] : memref<160x128xi32, #tpu.memory_space<vmem>> -> memref<1x128xi32, #tpu.memory_space<vmem>>
    %dma_start3A_100 = tpu.memref_squeeze %dma_start3A_99 : memref<1x128xi32, #tpu.memory_space<vmem>> -> memref<128xi32, #tpu.memory_space<vmem>>
    %dma_start3A_101 = arith.constant 0 : i32
    %dma_start3A_102 = arith.constant 0 : i32
    %dma_start3A_103 = tpu.memref_slice %arg17[%dma_start3A_101, %dma_start3A_102] : memref<10248x16xf32, #tpu.memory_space<vmem_shared>> -> memref<10248x16xf32, #tpu.memory_space<vmem_shared>>
    tpu.enqueue_indirect_dma source(%dma_start3A_103 : memref<10248x16xf32, #tpu.memory_space<vmem_shared>>) target(%arg10 : memref<128x16xf32, #tpu.memory_space<vmem>>) offsets(%dma_start3A_100 : memref<128xi32, #tpu.memory_space<vmem>>) semaphore(%arg22 : memref<!tpu.dma_semaphore, #tpu.memory_space<semaphore_mem>>)
    %scan3A_104 = arith.constant 0 : i32
    %scan3A_105 = arith.constant 40 : i32
    %scan3A_106 = arith.addi %scan3A_104, %scan3A_105 : i32
    %scan3A_107 = arith.constant 1 : i32
    scf.for %scan3A_205 = %scan3A_104 to %scan3A_106 step %scan3A_107  : i32 {
      %mul3A_206 = arith.constant 1 : i32
      %mul3A_207 = arith.muli %scan3A_205, %mul3A_206 : i32
      %add3A = arith.constant 0 : i32
      %add3A_208 = arith.addi %add3A, %mul3A_207 : i32
      %mul3A_209 = arith.constant 4 : i32
      %mul3A_210 = arith.muli %mul3A_209, %add3A_208 : i32
      %add3A_211 = arith.constant 0 : i32
      %add3A_212 = arith.addi %mul3A_210, %add3A_211 : i32
      %dma_wait3A_213 = arith.constant 0 : i32
      %dma_wait3A_214 = tpu.memref_slice %arg6[%add3A_212, %dma_wait3A_213] : memref<160x128xi32, #tpu.memory_space<vmem>> -> memref<1x128xi32, #tpu.memory_space<vmem>>
      %dma_wait3A_215 = tpu.memref_squeeze %dma_wait3A_214 : memref<1x128xi32, #tpu.memory_space<vmem>> -> memref<128xi32, #tpu.memory_space<vmem>>
      %dma_wait3A_216 = arith.constant 0 : i32
      %dma_wait3A_217 = arith.constant 0 : i32
      %dma_wait3A_218 = tpu.memref_slice %arg17[%dma_wait3A_216, %dma_wait3A_217] : memref<10248x16xf32, #tpu.memory_space<vmem_shared>> -> memref<10248x16xf32, #tpu.memory_space<vmem_shared>>
      tpu.wait_indirect_dma semaphore(%arg20 : memref<!tpu.dma_semaphore, #tpu.memory_space<semaphore_mem>>) src(%dma_wait3A_218 : memref<10248x16xf32, #tpu.memory_space<vmem_shared>>) dst(%arg8 : memref<128x16xf32, #tpu.memory_space<vmem>>)
      %dma_start3A_219 = arith.constant 0 : i32
      %dma_start3A_220 = tpu.memref_slice %arg7[%add3A_212, %dma_start3A_219] : memref<160x128xi32, #tpu.memory_space<vmem>> -> memref<1x128xi32, #tpu.memory_space<vmem>>
      %dma_start3A_221 = tpu.memref_squeeze %dma_start3A_220 : memref<1x128xi32, #tpu.memory_space<vmem>> -> memref<128xi32, #tpu.memory_space<vmem>>
      %dma_start3A_222 = arith.constant 0 : i32
      %dma_start3A_223 = arith.constant 0 : i32
      %dma_start3A_224 = tpu.memref_slice %arg18[%dma_start3A_222, %dma_start3A_223] : memref<10248x16xf32, #tpu.memory_space<vmem_shared>> -> memref<10248x16xf32, #tpu.memory_space<vmem_shared>>
      tpu.enqueue_indirect_dma source(%arg8 : memref<128x16xf32, #tpu.memory_space<vmem>>) target(%dma_start3A_224 : memref<10248x16xf32, #tpu.memory_space<vmem_shared>>) offsets(%dma_start3A_221 : memref<128xi32, #tpu.memory_space<vmem>>) semaphore(%arg24 : memref<!tpu.dma_semaphore, #tpu.memory_space<semaphore_mem>>) {add = true}
      %add3A_225 = arith.constant 4 : i32
      %add3A_226 = arith.addi %add3A_212, %add3A_225 : i32
      %sub3A = arith.constant 1 : i32
      %sub3A_227 = arith.subi %add3A_226, %sub3A : i32
      %lt3A = arith.constant 160 : i32
      %lt3A_228 = arith.cmpi slt, %sub3A_227, %lt3A : i32
      %convert_element_type3A = arith.extui %lt3A_228 : i1 to i32
      %cond3A = arith.constant 0 : i32
      %cond3A_229 = arith.cmpi ne, %convert_element_type3A, %cond3A : i32
      scf.if %cond3A_229 {
        %gt3A = arith.constant 0 : i32
        %gt3A_305 = arith.cmpi sgt, %add3A_212, %gt3A : i32
        %convert_element_type3A_306 = arith.extui %gt3A_305 : i1 to i32
        %cond3A_307 = arith.constant 0 : i32
        %cond3A_308 = arith.cmpi ne, %convert_element_type3A_306, %cond3A_307 : i32
        scf.if %cond3A_308 {
          %dma_wait3A_319 = arith.constant 0 : i32
          %dma_wait3A_320 = arith.constant 0 : i32
          %dma_wait3A_321 = tpu.memref_slice %arg7[%dma_wait3A_319, %dma_wait3A_320] : memref<160x128xi32, #tpu.memory_space<vmem>> -> memref<1x128xi32, #tpu.memory_space<vmem>>
          %dma_wait3A_322 = tpu.memref_squeeze %dma_wait3A_321 : memref<1x128xi32, #tpu.memory_space<vmem>> -> memref<128xi32, #tpu.memory_space<vmem>>
          %dma_wait3A_323 = arith.constant 0 : i32
          %dma_wait3A_324 = arith.constant 0 : i32
          %dma_wait3A_325 = tpu.memref_slice %arg18[%dma_wait3A_323, %dma_wait3A_324] : memref<10248x16xf32, #tpu.memory_space<vmem_shared>> -> memref<10248x16xf32, #tpu.memory_space<vmem_shared>>
          tpu.wait_indirect_dma semaphore(%arg27 : memref<!tpu.dma_semaphore, #tpu.memory_space<semaphore_mem>>) src(%arg11 : memref<128x16xf32, #tpu.memory_space<vmem>>) dst(%dma_wait3A_325 : memref<10248x16xf32, #tpu.memory_space<vmem_shared>>)
        } else {
        }
        %add3A_309 = arith.constant 4 : i32
        %add3A_310 = arith.addi %add3A_212, %add3A_309 : i32
        %sub3A_311 = arith.constant 1 : i32
        %sub3A_312 = arith.subi %add3A_310, %sub3A_311 : i32
        %dma_start3A_313 = arith.constant 0 : i32
        %dma_start3A_314 = tpu.memref_slice %arg6[%sub3A_312, %dma_start3A_313] : memref<160x128xi32, #tpu.memory_space<vmem>> -> memref<1x128xi32, #tpu.memory_space<vmem>>
        %dma_start3A_315 = tpu.memref_squeeze %dma_start3A_314 : memref<1x128xi32, #tpu.memory_space<vmem>> -> memref<128xi32, #tpu.memory_space<vmem>>
        %dma_start3A_316 = arith.constant 0 : i32
        %dma_start3A_317 = arith.constant 0 : i32
        %dma_start3A_318 = tpu.memref_slice %arg17[%dma_start3A_316, %dma_start3A_317] : memref<10248x16xf32, #tpu.memory_space<vmem_shared>> -> memref<10248x16xf32, #tpu.memory_space<vmem_shared>>
        tpu.enqueue_indirect_dma source(%dma_start3A_318 : memref<10248x16xf32, #tpu.memory_space<vmem_shared>>) target(%arg11 : memref<128x16xf32, #tpu.memory_space<vmem>>) offsets(%dma_start3A_315 : memref<128xi32, #tpu.memory_space<vmem>>) semaphore(%arg23 : memref<!tpu.dma_semaphore, #tpu.memory_space<semaphore_mem>>)
      } else {
      }
      %mul3A_230 = arith.constant 4 : i32
      %mul3A_231 = arith.muli %mul3A_230, %add3A_208 : i32
      %add3A_232 = arith.constant 1 : i32
      %add3A_233 = arith.addi %mul3A_231, %add3A_232 : i32
      %dma_wait3A_234 = arith.constant 0 : i32
      %dma_wait3A_235 = tpu.memref_slice %arg6[%add3A_233, %dma_wait3A_234] : memref<160x128xi32, #tpu.memory_space<vmem>> -> memref<1x128xi32, #tpu.memory_space<vmem>>
      %dma_wait3A_236 = tpu.memref_squeeze %dma_wait3A_235 : memref<1x128xi32, #tpu.memory_space<vmem>> -> memref<128xi32, #tpu.memory_space<vmem>>
      %dma_wait3A_237 = arith.constant 0 : i32
      %dma_wait3A_238 = arith.constant 0 : i32
      %dma_wait3A_239 = tpu.memref_slice %arg17[%dma_wait3A_237, %dma_wait3A_238] : memref<10248x16xf32, #tpu.memory_space<vmem_shared>> -> memref<10248x16xf32, #tpu.memory_space<vmem_shared>>
      tpu.wait_indirect_dma semaphore(%arg21 : memref<!tpu.dma_semaphore, #tpu.memory_space<semaphore_mem>>) src(%dma_wait3A_239 : memref<10248x16xf32, #tpu.memory_space<vmem_shared>>) dst(%arg9 : memref<128x16xf32, #tpu.memory_space<vmem>>)
      %dma_start3A_240 = arith.constant 0 : i32
      %dma_start3A_241 = tpu.memref_slice %arg7[%add3A_233, %dma_start3A_240] : memref<160x128xi32, #tpu.memory_space<vmem>> -> memref<1x128xi32, #tpu.memory_space<vmem>>
      %dma_start3A_242 = tpu.memref_squeeze %dma_start3A_241 : memref<1x128xi32, #tpu.memory_space<vmem>> -> memref<128xi32, #tpu.memory_space<vmem>>
      %dma_start3A_243 = arith.constant 0 : i32
      %dma_start3A_244 = arith.constant 0 : i32
      %dma_start3A_245 = tpu.memref_slice %arg18[%dma_start3A_243, %dma_start3A_244] : memref<10248x16xf32, #tpu.memory_space<vmem_shared>> -> memref<10248x16xf32, #tpu.memory_space<vmem_shared>>
      tpu.enqueue_indirect_dma source(%arg9 : memref<128x16xf32, #tpu.memory_space<vmem>>) target(%dma_start3A_245 : memref<10248x16xf32, #tpu.memory_space<vmem_shared>>) offsets(%dma_start3A_242 : memref<128xi32, #tpu.memory_space<vmem>>) semaphore(%arg25 : memref<!tpu.dma_semaphore, #tpu.memory_space<semaphore_mem>>) {add = true}
      %add3A_246 = arith.constant 4 : i32
      %add3A_247 = arith.addi %add3A_233, %add3A_246 : i32
      %sub3A_248 = arith.constant 1 : i32
      %sub3A_249 = arith.subi %add3A_247, %sub3A_248 : i32
      %lt3A_250 = arith.constant 160 : i32
      %lt3A_251 = arith.cmpi slt, %sub3A_249, %lt3A_250 : i32
      %convert_element_type3A_252 = arith.extui %lt3A_251 : i1 to i32
      %cond3A_253 = arith.constant 0 : i32
      %cond3A_254 = arith.cmpi ne, %convert_element_type3A_252, %cond3A_253 : i32
      scf.if %cond3A_254 {
        %gt3A = arith.constant 0 : i32
        %gt3A_305 = arith.cmpi sgt, %add3A_233, %gt3A : i32
        %convert_element_type3A_306 = arith.extui %gt3A_305 : i1 to i32
        %cond3A_307 = arith.constant 0 : i32
        %cond3A_308 = arith.cmpi ne, %convert_element_type3A_306, %cond3A_307 : i32
        scf.if %cond3A_308 {
          %dma_wait3A_319 = arith.constant 0 : i32
          %dma_wait3A_320 = arith.constant 0 : i32
          %dma_wait3A_321 = tpu.memref_slice %arg7[%dma_wait3A_319, %dma_wait3A_320] : memref<160x128xi32, #tpu.memory_space<vmem>> -> memref<1x128xi32, #tpu.memory_space<vmem>>
          %dma_wait3A_322 = tpu.memref_squeeze %dma_wait3A_321 : memref<1x128xi32, #tpu.memory_space<vmem>> -> memref<128xi32, #tpu.memory_space<vmem>>
          %dma_wait3A_323 = arith.constant 0 : i32
          %dma_wait3A_324 = arith.constant 0 : i32
          %dma_wait3A_325 = tpu.memref_slice %arg18[%dma_wait3A_323, %dma_wait3A_324] : memref<10248x16xf32, #tpu.memory_space<vmem_shared>> -> memref<10248x16xf32, #tpu.memory_space<vmem_shared>>
          tpu.wait_indirect_dma semaphore(%arg24 : memref<!tpu.dma_semaphore, #tpu.memory_space<semaphore_mem>>) src(%arg8 : memref<128x16xf32, #tpu.memory_space<vmem>>) dst(%dma_wait3A_325 : memref<10248x16xf32, #tpu.memory_space<vmem_shared>>)
        } else {
        }
        %add3A_309 = arith.constant 4 : i32
        %add3A_310 = arith.addi %add3A_233, %add3A_309 : i32
        %sub3A_311 = arith.constant 1 : i32
        %sub3A_312 = arith.subi %add3A_310, %sub3A_311 : i32
        %dma_start3A_313 = arith.constant 0 : i32
        %dma_start3A_314 = tpu.memref_slice %arg6[%sub3A_312, %dma_start3A_313] : memref<160x128xi32, #tpu.memory_space<vmem>> -> memref<1x128xi32, #tpu.memory_space<vmem>>
        %dma_start3A_315 = tpu.memref_squeeze %dma_start3A_314 : memref<1x128xi32, #tpu.memory_space<vmem>> -> memref<128xi32, #tpu.memory_space<vmem>>
        %dma_start3A_316 = arith.constant 0 : i32
        %dma_start3A_317 = arith.constant 0 : i32
        %dma_start3A_318 = tpu.memref_slice %arg17[%dma_start3A_316, %dma_start3A_317] : memref<10248x16xf32, #tpu.memory_space<vmem_shared>> -> memref<10248x16xf32, #tpu.memory_space<vmem_shared>>
        tpu.enqueue_indirect_dma source(%dma_start3A_318 : memref<10248x16xf32, #tpu.memory_space<vmem_shared>>) target(%arg8 : memref<128x16xf32, #tpu.memory_space<vmem>>) offsets(%dma_start3A_315 : memref<128xi32, #tpu.memory_space<vmem>>) semaphore(%arg20 : memref<!tpu.dma_semaphore, #tpu.memory_space<semaphore_mem>>)
      } else {
      }
      %mul3A_255 = arith.constant 4 : i32
      %mul3A_256 = arith.muli %mul3A_255, %add3A_208 : i32
      %add3A_257 = arith.constant 2 : i32
      %add3A_258 = arith.addi %mul3A_256, %add3A_257 : i32
      %dma_wait3A_259 = arith.constant 0 : i32
      %dma_wait3A_260 = tpu.memref_slice %arg6[%add3A_258, %dma_wait3A_259] : memref<160x128xi32, #tpu.memory_space<vmem>> -> memref<1x128xi32, #tpu.memory_space<vmem>>
      %dma_wait3A_261 = tpu.memref_squeeze %dma_wait3A_260 : memref<1x128xi32, #tpu.memory_space<vmem>> -> memref<128xi32, #tpu.memory_space<vmem>>
      %dma_wait3A_262 = arith.constant 0 : i32
      %dma_wait3A_263 = arith.constant 0 : i32
      %dma_wait3A_264 = tpu.memref_slice %arg17[%dma_wait3A_262, %dma_wait3A_263] : memref<10248x16xf32, #tpu.memory_space<vmem_shared>> -> memref<10248x16xf32, #tpu.memory_space<vmem_shared>>
      tpu.wait_indirect_dma semaphore(%arg22 : memref<!tpu.dma_semaphore, #tpu.memory_space<semaphore_mem>>) src(%dma_wait3A_264 : memref<10248x16xf32, #tpu.memory_space<vmem_shared>>) dst(%arg10 : memref<128x16xf32, #tpu.memory_space<vmem>>)
      %dma_start3A_265 = arith.constant 0 : i32
      %dma_start3A_266 = tpu.memref_slice %arg7[%add3A_258, %dma_start3A_265] : memref<160x128xi32, #tpu.memory_space<vmem>> -> memref<1x128xi32, #tpu.memory_space<vmem>>
      %dma_start3A_267 = tpu.memref_squeeze %dma_start3A_266 : memref<1x128xi32, #tpu.memory_space<vmem>> -> memref<128xi32, #tpu.memory_space<vmem>>
      %dma_start3A_268 = arith.constant 0 : i32
      %dma_start3A_269 = arith.constant 0 : i32
      %dma_start3A_270 = tpu.memref_slice %arg18[%dma_start3A_268, %dma_start3A_269] : memref<10248x16xf32, #tpu.memory_space<vmem_shared>> -> memref<10248x16xf32, #tpu.memory_space<vmem_shared>>
      tpu.enqueue_indirect_dma source(%arg10 : memref<128x16xf32, #tpu.memory_space<vmem>>) target(%dma_start3A_270 : memref<10248x16xf32, #tpu.memory_space<vmem_shared>>) offsets(%dma_start3A_267 : memref<128xi32, #tpu.memory_space<vmem>>) semaphore(%arg26 : memref<!tpu.dma_semaphore, #tpu.memory_space<semaphore_mem>>) {add = true}
      %add3A_271 = arith.constant 4 : i32
      %add3A_272 = arith.addi %add3A_258, %add3A_271 : i32
      %sub3A_273 = arith.constant 1 : i32
      %sub3A_274 = arith.subi %add3A_272, %sub3A_273 : i32
      %lt3A_275 = arith.constant 160 : i32
      %lt3A_276 = arith.cmpi slt, %sub3A_274, %lt3A_275 : i32
      %convert_element_type3A_277 = arith.extui %lt3A_276 : i1 to i32
      %cond3A_278 = arith.constant 0 : i32
      %cond3A_279 = arith.cmpi ne, %convert_element_type3A_277, %cond3A_278 : i32
      scf.if %cond3A_279 {
        %gt3A = arith.constant 0 : i32
        %gt3A_305 = arith.cmpi sgt, %add3A_258, %gt3A : i32
        %convert_element_type3A_306 = arith.extui %gt3A_305 : i1 to i32
        %cond3A_307 = arith.constant 0 : i32
        %cond3A_308 = arith.cmpi ne, %convert_element_type3A_306, %cond3A_307 : i32
        scf.if %cond3A_308 {
          %dma_wait3A_319 = arith.constant 0 : i32
          %dma_wait3A_320 = arith.constant 0 : i32
          %dma_wait3A_321 = tpu.memref_slice %arg7[%dma_wait3A_319, %dma_wait3A_320] : memref<160x128xi32, #tpu.memory_space<vmem>> -> memref<1x128xi32, #tpu.memory_space<vmem>>
          %dma_wait3A_322 = tpu.memref_squeeze %dma_wait3A_321 : memref<1x128xi32, #tpu.memory_space<vmem>> -> memref<128xi32, #tpu.memory_space<vmem>>
          %dma_wait3A_323 = arith.constant 0 : i32
          %dma_wait3A_324 = arith.constant 0 : i32
          %dma_wait3A_325 = tpu.memref_slice %arg18[%dma_wait3A_323, %dma_wait3A_324] : memref<10248x16xf32, #tpu.memory_space<vmem_shared>> -> memref<10248x16xf32, #tpu.memory_space<vmem_shared>>
          tpu.wait_indirect_dma semaphore(%arg25 : memref<!tpu.dma_semaphore, #tpu.memory_space<semaphore_mem>>) src(%arg9 : memref<128x16xf32, #tpu.memory_space<vmem>>) dst(%dma_wait3A_325 : memref<10248x16xf32, #tpu.memory_space<vmem_shared>>)
        } else {
        }
        %add3A_309 = arith.constant 4 : i32
        %add3A_310 = arith.addi %add3A_258, %add3A_309 : i32
        %sub3A_311 = arith.constant 1 : i32
        %sub3A_312 = arith.subi %add3A_310, %sub3A_311 : i32
        %dma_start3A_313 = arith.constant 0 : i32
        %dma_start3A_314 = tpu.memref_slice %arg6[%sub3A_312, %dma_start3A_313] : memref<160x128xi32, #tpu.memory_space<vmem>> -> memref<1x128xi32, #tpu.memory_space<vmem>>
        %dma_start3A_315 = tpu.memref_squeeze %dma_start3A_314 : memref<1x128xi32, #tpu.memory_space<vmem>> -> memref<128xi32, #tpu.memory_space<vmem>>
        %dma_start3A_316 = arith.constant 0 : i32
        %dma_start3A_317 = arith.constant 0 : i32
        %dma_start3A_318 = tpu.memref_slice %arg17[%dma_start3A_316, %dma_start3A_317] : memref<10248x16xf32, #tpu.memory_space<vmem_shared>> -> memref<10248x16xf32, #tpu.memory_space<vmem_shared>>
        tpu.enqueue_indirect_dma source(%dma_start3A_318 : memref<10248x16xf32, #tpu.memory_space<vmem_shared>>) target(%arg9 : memref<128x16xf32, #tpu.memory_space<vmem>>) offsets(%dma_start3A_315 : memref<128xi32, #tpu.memory_space<vmem>>) semaphore(%arg21 : memref<!tpu.dma_semaphore, #tpu.memory_space<semaphore_mem>>)
      } else {
      }
      %mul3A_280 = arith.constant 4 : i32
      %mul3A_281 = arith.muli %mul3A_280, %add3A_208 : i32
      %add3A_282 = arith.constant 3 : i32
      %add3A_283 = arith.addi %mul3A_281, %add3A_282 : i32
      %dma_wait3A_284 = arith.constant 0 : i32
      %dma_wait3A_285 = tpu.memref_slice %arg6[%add3A_283, %dma_wait3A_284] : memref<160x128xi32, #tpu.memory_space<vmem>> -> memref<1x128xi32, #tpu.memory_space<vmem>>
      %dma_wait3A_286 = tpu.memref_squeeze %dma_wait3A_285 : memref<1x128xi32, #tpu.memory_space<vmem>> -> memref<128xi32, #tpu.memory_space<vmem>>
      %dma_wait3A_287 = arith.constant 0 : i32
      %dma_wait3A_288 = arith.constant 0 : i32
      %dma_wait3A_289 = tpu.memref_slice %arg17[%dma_wait3A_287, %dma_wait3A_288] : memref<10248x16xf32, #tpu.memory_space<vmem_shared>> -> memref<10248x16xf32, #tpu.memory_space<vmem_shared>>
      tpu.wait_indirect_dma semaphore(%arg23 : memref<!tpu.dma_semaphore, #tpu.memory_space<semaphore_mem>>) src(%dma_wait3A_289 : memref<10248x16xf32, #tpu.memory_space<vmem_shared>>) dst(%arg11 : memref<128x16xf32, #tpu.memory_space<vmem>>)
      %dma_start3A_290 = arith.constant 0 : i32
      %dma_start3A_291 = tpu.memref_slice %arg7[%add3A_283, %dma_start3A_290] : memref<160x128xi32, #tpu.memory_space<vmem>> -> memref<1x128xi32, #tpu.memory_space<vmem>>
      %dma_start3A_292 = tpu.memref_squeeze %dma_start3A_291 : memref<1x128xi32, #tpu.memory_space<vmem>> -> memref<128xi32, #tpu.memory_space<vmem>>
      %dma_start3A_293 = arith.constant 0 : i32
      %dma_start3A_294 = arith.constant 0 : i32
      %dma_start3A_295 = tpu.memref_slice %arg18[%dma_start3A_293, %dma_start3A_294] : memref<10248x16xf32, #tpu.memory_space<vmem_shared>> -> memref<10248x16xf32, #tpu.memory_space<vmem_shared>>
      tpu.enqueue_indirect_dma source(%arg11 : memref<128x16xf32, #tpu.memory_space<vmem>>) target(%dma_start3A_295 : memref<10248x16xf32, #tpu.memory_space<vmem_shared>>) offsets(%dma_start3A_292 : memref<128xi32, #tpu.memory_space<vmem>>) semaphore(%arg27 : memref<!tpu.dma_semaphore, #tpu.memory_space<semaphore_mem>>) {add = true}
      %add3A_296 = arith.constant 4 : i32
      %add3A_297 = arith.addi %add3A_283, %add3A_296 : i32
      %sub3A_298 = arith.constant 1 : i32
      %sub3A_299 = arith.subi %add3A_297, %sub3A_298 : i32
      %lt3A_300 = arith.constant 160 : i32
      %lt3A_301 = arith.cmpi slt, %sub3A_299, %lt3A_300 : i32
      %convert_element_type3A_302 = arith.extui %lt3A_301 : i1 to i32
      %cond3A_303 = arith.constant 0 : i32
      %cond3A_304 = arith.cmpi ne, %convert_element_type3A_302, %cond3A_303 : i32
      scf.if %cond3A_304 {
        %gt3A = arith.constant 0 : i32
        %gt3A_305 = arith.cmpi sgt, %add3A_283, %gt3A : i32
        %convert_element_type3A_306 = arith.extui %gt3A_305 : i1 to i32
        %cond3A_307 = arith.constant 0 : i32
        %cond3A_308 = arith.cmpi ne, %convert_element_type3A_306, %cond3A_307 : i32
        scf.if %cond3A_308 {
          %dma_wait3A_319 = arith.constant 0 : i32
          %dma_wait3A_320 = arith.constant 0 : i32
          %dma_wait3A_321 = tpu.memref_slice %arg7[%dma_wait3A_319, %dma_wait3A_320] : memref<160x128xi32, #tpu.memory_space<vmem>> -> memref<1x128xi32, #tpu.memory_space<vmem>>
          %dma_wait3A_322 = tpu.memref_squeeze %dma_wait3A_321 : memref<1x128xi32, #tpu.memory_space<vmem>> -> memref<128xi32, #tpu.memory_space<vmem>>
          %dma_wait3A_323 = arith.constant 0 : i32
          %dma_wait3A_324 = arith.constant 0 : i32
          %dma_wait3A_325 = tpu.memref_slice %arg18[%dma_wait3A_323, %dma_wait3A_324] : memref<10248x16xf32, #tpu.memory_space<vmem_shared>> -> memref<10248x16xf32, #tpu.memory_space<vmem_shared>>
          tpu.wait_indirect_dma semaphore(%arg26 : memref<!tpu.dma_semaphore, #tpu.memory_space<semaphore_mem>>) src(%arg10 : memref<128x16xf32, #tpu.memory_space<vmem>>) dst(%dma_wait3A_325 : memref<10248x16xf32, #tpu.memory_space<vmem_shared>>)
        } else {
        }
        %add3A_309 = arith.constant 4 : i32
        %add3A_310 = arith.addi %add3A_283, %add3A_309 : i32
        %sub3A_311 = arith.constant 1 : i32
        %sub3A_312 = arith.subi %add3A_310, %sub3A_311 : i32
        %dma_start3A_313 = arith.constant 0 : i32
        %dma_start3A_314 = tpu.memref_slice %arg6[%sub3A_312, %dma_start3A_313] : memref<160x128xi32, #tpu.memory_space<vmem>> -> memref<1x128xi32, #tpu.memory_space<vmem>>
        %dma_start3A_315 = tpu.memref_squeeze %dma_start3A_314 : memref<1x128xi32, #tpu.memory_space<vmem>> -> memref<128xi32, #tpu.memory_space<vmem>>
        %dma_start3A_316 = arith.constant 0 : i32
        %dma_start3A_317 = arith.constant 0 : i32
        %dma_start3A_318 = tpu.memref_slice %arg17[%dma_start3A_316, %dma_start3A_317] : memref<10248x16xf32, #tpu.memory_space<vmem_shared>> -> memref<10248x16xf32, #tpu.memory_space<vmem_shared>>
        tpu.enqueue_indirect_dma source(%dma_start3A_318 : memref<10248x16xf32, #tpu.memory_space<vmem_shared>>) target(%arg10 : memref<128x16xf32, #tpu.memory_space<vmem>>) offsets(%dma_start3A_315 : memref<128xi32, #tpu.memory_space<vmem>>) semaphore(%arg22 : memref<!tpu.dma_semaphore, #tpu.memory_space<semaphore_mem>>)
      } else {
      }
    }
    %scan3A_108 = arith.constant 40 : i32
    %dma_wait3A_109 = arith.constant 0 : i32
    %dma_wait3A_110 = arith.constant 0 : i32
    %dma_wait3A_111 = tpu.memref_slice %arg7[%dma_wait3A_109, %dma_wait3A_110] : memref<160x128xi32, #tpu.memory_space<vmem>> -> memref<1x128xi32, #tpu.memory_space<vmem>>
    %dma_wait3A_112 = tpu.memref_squeeze %dma_wait3A_111 : memref<1x128xi32, #tpu.memory_space<vmem>> -> memref<128xi32, #tpu.memory_space<vmem>>
    %dma_wait3A_113 = arith.constant 0 : i32
    %dma_wait3A_114 = arith.constant 0 : i32
    %dma_wait3A_115 = tpu.memref_slice %arg18[%dma_wait3A_113, %dma_wait3A_114] : memref<10248x16xf32, #tpu.memory_space<vmem_shared>> -> memref<10248x16xf32, #tpu.memory_space<vmem_shared>>
    tpu.wait_indirect_dma semaphore(%arg24 : memref<!tpu.dma_semaphore, #tpu.memory_space<semaphore_mem>>) src(%arg8 : memref<128x16xf32, #tpu.memory_space<vmem>>) dst(%dma_wait3A_115 : memref<10248x16xf32, #tpu.memory_space<vmem_shared>>)
    %dma_wait3A_116 = arith.constant 0 : i32
    %dma_wait3A_117 = arith.constant 0 : i32
    %dma_wait3A_118 = tpu.memref_slice %arg7[%dma_wait3A_116, %dma_wait3A_117] : memref<160x128xi32, #tpu.memory_space<vmem>> -> memref<1x128xi32, #tpu.memory_space<vmem>>
    %dma_wait3A_119 = tpu.memref_squeeze %dma_wait3A_118 : memref<1x128xi32, #tpu.memory_space<vmem>> -> memref<128xi32, #tpu.memory_space<vmem>>
    %dma_wait3A_120 = arith.constant 0 : i32
    %dma_wait3A_121 = arith.constant 0 : i32
    %dma_wait3A_122 = tpu.memref_slice %arg18[%dma_wait3A_120, %dma_wait3A_121] : memref<10248x16xf32, #tpu.memory_space<vmem_shared>> -> memref<10248x16xf32, #tpu.memory_space<vmem_shared>>
    tpu.wait_indirect_dma semaphore(%arg25 : memref<!tpu.dma_semaphore, #tpu.memory_space<semaphore_mem>>) src(%arg9 : memref<128x16xf32, #tpu.memory_space<vmem>>) dst(%dma_wait3A_122 : memref<10248x16xf32, #tpu.memory_space<vmem_shared>>)
    %dma_wait3A_123 = arith.constant 0 : i32
    %dma_wait3A_124 = arith.constant 0 : i32
    %dma_wait3A_125 = tpu.memref_slice %arg7[%dma_wait3A_123, %dma_wait3A_124] : memref<160x128xi32, #tpu.memory_space<vmem>> -> memref<1x128xi32, #tpu.memory_space<vmem>>
    %dma_wait3A_126 = tpu.memref_squeeze %dma_wait3A_125 : memref<1x128xi32, #tpu.memory_space<vmem>> -> memref<128xi32, #tpu.memory_space<vmem>>
    %dma_wait3A_127 = arith.constant 0 : i32
    %dma_wait3A_128 = arith.constant 0 : i32
    %dma_wait3A_129 = tpu.memref_slice %arg18[%dma_wait3A_127, %dma_wait3A_128] : memref<10248x16xf32, #tpu.memory_space<vmem_shared>> -> memref<10248x16xf32, #tpu.memory_space<vmem_shared>>
    tpu.wait_indirect_dma semaphore(%arg26 : memref<!tpu.dma_semaphore, #tpu.memory_space<semaphore_mem>>) src(%arg10 : memref<128x16xf32, #tpu.memory_space<vmem>>) dst(%dma_wait3A_129 : memref<10248x16xf32, #tpu.memory_space<vmem_shared>>)
    %dma_wait3A_130 = arith.constant 0 : i32
    %dma_wait3A_131 = arith.constant 0 : i32
    %dma_wait3A_132 = tpu.memref_slice %arg7[%dma_wait3A_130, %dma_wait3A_131] : memref<160x128xi32, #tpu.memory_space<vmem>> -> memref<1x128xi32, #tpu.memory_space<vmem>>
    %dma_wait3A_133 = tpu.memref_squeeze %dma_wait3A_132 : memref<1x128xi32, #tpu.memory_space<vmem>> -> memref<128xi32, #tpu.memory_space<vmem>>
    %dma_wait3A_134 = arith.constant 0 : i32
    %dma_wait3A_135 = arith.constant 0 : i32
    %dma_wait3A_136 = tpu.memref_slice %arg18[%dma_wait3A_134, %dma_wait3A_135] : memref<10248x16xf32, #tpu.memory_space<vmem_shared>> -> memref<10248x16xf32, #tpu.memory_space<vmem_shared>>
    tpu.wait_indirect_dma semaphore(%arg27 : memref<!tpu.dma_semaphore, #tpu.memory_space<semaphore_mem>>) src(%arg11 : memref<128x16xf32, #tpu.memory_space<vmem>>) dst(%dma_wait3A_136 : memref<10248x16xf32, #tpu.memory_space<vmem_shared>>)
    %barrier3A_137 = arith.constant 0 : index
    tpu.barrier barrier_id(%barrier3A_137)
    "tpu.region"() ({
      %run_scoped3A = tpu.sem_alloc : memref<!tpu.dma_semaphore, #tpu.memory_space<semaphore_mem>>
      %dma_start3A_205 = arith.constant 0 : i32
      %dma_start3A_206 = tpu.memref_slice %arg18[%mul3A_0, %dma_start3A_205] : memref<10248x16xf32, #tpu.memory_space<vmem_shared>> -> memref<640x16xf32, #tpu.memory_space<vmem_shared>>
      %dma_start3A_207 = arith.constant 0 : i32
      %dma_start3A_208 = tpu.memref_slice %arg18[%mul3A_0, %dma_start3A_207] : memref<10248x16xf32, #tpu.memory_space<vmem_shared>> -> memref<640x16xf32, #tpu.memory_space<vmem_shared>>
      tpu.enqueue_dma source(%dma_start3A_208 : memref<640x16xf32, #tpu.memory_space<vmem_shared>>) target(%arg13 : memref<640x16xf32, #tpu.memory_space<vmem>>) target_semaphore(%run_scoped3A : memref<!tpu.dma_semaphore, #tpu.memory_space<semaphore_mem>>)
      %dma_wait3A_209 = arith.constant 0 : i32
      %dma_wait3A_210 = tpu.memref_slice %arg18[%mul3A_0, %dma_wait3A_209] : memref<10248x16xf32, #tpu.memory_space<vmem_shared>> -> memref<640x16xf32, #tpu.memory_space<vmem_shared>>
      %dma_wait3A_211 = arith.constant 0 : i32
      %dma_wait3A_212 = tpu.memref_slice %arg18[%mul3A_0, %dma_wait3A_211] : memref<10248x16xf32, #tpu.memory_space<vmem_shared>> -> memref<640x16xf32, #tpu.memory_space<vmem_shared>>
      tpu.wait_dma2 semaphore(%run_scoped3A : memref<!tpu.dma_semaphore, #tpu.memory_space<semaphore_mem>>) src(%dma_wait3A_212 : memref<640x16xf32, #tpu.memory_space<vmem_shared>>) dst(%arg13 : memref<640x16xf32, #tpu.memory_space<vmem>>)
      tpu.yield
    }) : () -> ()
    %scan3A_138 = arith.constant 0 : i32
    %scan3A_139 = arith.constant 640 : i32
    %scan3A_140 = arith.addi %scan3A_138, %scan3A_139 : i32
    %scan3A_141 = arith.constant 1 : i32
    scf.for %scan3A_205 = %scan3A_138 to %scan3A_140 step %scan3A_141  : i32 {
      %mul3A_206 = arith.constant 1 : i32
      %mul3A_207 = arith.muli %scan3A_205, %mul3A_206 : i32
      %add3A = arith.constant 0 : i32
      %add3A_208 = arith.addi %add3A, %mul3A_207 : i32
      %get3A = arith.index_cast %add3A_208 : i32 to index
      %get3A_209 = arith.constant 0 : index
      %get3A_210 = tpu.vector_load %arg13[%get3A, %get3A_209] {strides = array<i32>} : memref<640x16xf32, #tpu.memory_space<vmem>>, vector<1x16xf32>,
      %get3A_211 = vector.shape_cast %get3A_210 : vector<1x16xf32> to vector<16xf32>
      %get3A_212 = arith.index_cast %add3A_208 : i32 to index
      %get3A_213 = arith.constant 0 : index
      %get3A_214 = tpu.vector_load %arg14[%get3A_212, %get3A_213] {strides = array<i32>} : memref<640x16xf32, #tpu.memory_space<vmem>>, vector<1x16xf32>,
      %get3A_215 = vector.shape_cast %get3A_214 : vector<1x16xf32> to vector<16xf32>
      %mul3A_216 = arith.mulf %get3A_211, %get3A_215 : vector<16xf32>
      %get3A_217 = arith.index_cast %add3A_208 : i32 to index
      %get3A_218 = arith.constant 0 : index
      %get3A_219 = tpu.vector_load %arg15[%get3A_217, %get3A_218] {strides = array<i32>} : memref<640x16xf32, #tpu.memory_space<vmem>>, vector<1x16xf32>,
      %get3A_220 = vector.shape_cast %get3A_219 : vector<1x16xf32> to vector<16xf32>
      %mul3A_221 = arith.constant 1.000000e-01 : f32
      %mul3A_222 = vector.broadcast %mul3A_221 : f32 to vector<16xf32>
      %mul3A_223 = arith.mulf %mul3A_222, %get3A_220 : vector<16xf32>
      %add3A_224 = arith.addf %mul3A_216, %mul3A_223 : vector<16xf32>
      %swap3A = arith.index_cast %add3A_208 : i32 to index
      %swap3A_225 = arith.constant 0 : index
      %swap3A_226 = tpu.vector_load %arg13[%swap3A, %swap3A_225] {strides = array<i32>} : memref<640x16xf32, #tpu.memory_space<vmem>>, vector<1x16xf32>,
      %swap3A_227 = vector.shape_cast %swap3A_226 : vector<1x16xf32> to vector<16xf32>
      %swap3A_228 = vector.shape_cast %add3A_224 : vector<16xf32> to vector<1x16xf32>
      tpu.vector_store %arg13[%swap3A, %swap3A_225], %swap3A_228 {strides = array<i32>} : memref<640x16xf32, #tpu.memory_space<vmem>>, vector<1x16xf32>,
    }
    %scan3A_142 = arith.constant 640 : i32
    "tpu.region"() ({
      %run_scoped3A = tpu.sem_alloc : memref<!tpu.dma_semaphore, #tpu.memory_space<semaphore_mem>>
      %dma_start3A_205 = arith.constant 0 : i32
      %dma_start3A_206 = tpu.memref_slice %arg17[%mul3A_0, %dma_start3A_205] : memref<10248x16xf32, #tpu.memory_space<vmem_shared>> -> memref<640x16xf32, #tpu.memory_space<vmem_shared>>
      %dma_start3A_207 = arith.constant 0 : i32
      %dma_start3A_208 = tpu.memref_slice %arg17[%mul3A_0, %dma_start3A_207] : memref<10248x16xf32, #tpu.memory_space<vmem_shared>> -> memref<640x16xf32, #tpu.memory_space<vmem_shared>>
      tpu.enqueue_dma source(%arg13 : memref<640x16xf32, #tpu.memory_space<vmem>>) target(%dma_start3A_208 : memref<640x16xf32, #tpu.memory_space<vmem_shared>>) target_semaphore(%run_scoped3A : memref<!tpu.dma_semaphore, #tpu.memory_space<semaphore_mem>>)
      %dma_wait3A_209 = arith.constant 0 : i32
      %dma_wait3A_210 = tpu.memref_slice %arg17[%mul3A_0, %dma_wait3A_209] : memref<10248x16xf32, #tpu.memory_space<vmem_shared>> -> memref<640x16xf32, #tpu.memory_space<vmem_shared>>
      %dma_wait3A_211 = arith.constant 0 : i32
      %dma_wait3A_212 = tpu.memref_slice %arg17[%mul3A_0, %dma_wait3A_211] : memref<10248x16xf32, #tpu.memory_space<vmem_shared>> -> memref<640x16xf32, #tpu.memory_space<vmem_shared>>
      tpu.wait_dma2 semaphore(%run_scoped3A : memref<!tpu.dma_semaphore, #tpu.memory_space<semaphore_mem>>) src(%arg13 : memref<640x16xf32, #tpu.memory_space<vmem>>) dst(%dma_wait3A_212 : memref<640x16xf32, #tpu.memory_space<vmem_shared>>)
      tpu.yield
    }) : () -> ()
    "tpu.region"() ({
      %run_scoped3A = tpu.sem_alloc : memref<!tpu.dma_semaphore, #tpu.memory_space<semaphore_mem>>
      %dma_start3A_205 = arith.constant 0 : i32
      %dma_start3A_206 = tpu.memref_slice %arg18[%mul3A_0, %dma_start3A_205] : memref<10248x16xf32, #tpu.memory_space<vmem_shared>> -> memref<640x16xf32, #tpu.memory_space<vmem_shared>>
      %dma_start3A_207 = arith.constant 0 : i32
      %dma_start3A_208 = tpu.memref_slice %arg18[%mul3A_0, %dma_start3A_207] : memref<10248x16xf32, #tpu.memory_space<vmem_shared>> -> memref<640x16xf32, #tpu.memory_space<vmem_shared>>
      tpu.enqueue_dma source(%arg16 : memref<640x16xf32, #tpu.memory_space<vmem>>) target(%dma_start3A_208 : memref<640x16xf32, #tpu.memory_space<vmem_shared>>) target_semaphore(%run_scoped3A : memref<!tpu.dma_semaphore, #tpu.memory_space<semaphore_mem>>)
      %dma_wait3A_209 = arith.constant 0 : i32
      %dma_wait3A_210 = tpu.memref_slice %arg18[%mul3A_0, %dma_wait3A_209] : memref<10248x16xf32, #tpu.memory_space<vmem_shared>> -> memref<640x16xf32, #tpu.memory_space<vmem_shared>>
      %dma_wait3A_211 = arith.constant 0 : i32
      %dma_wait3A_212 = tpu.memref_slice %arg18[%mul3A_0, %dma_wait3A_211] : memref<10248x16xf32, #tpu.memory_space<vmem_shared>> -> memref<640x16xf32, #tpu.memory_space<vmem_shared>>
      tpu.wait_dma2 semaphore(%run_scoped3A : memref<!tpu.dma_semaphore, #tpu.memory_space<semaphore_mem>>) src(%arg16 : memref<640x16xf32, #tpu.memory_space<vmem>>) dst(%dma_wait3A_212 : memref<640x16xf32, #tpu.memory_space<vmem_shared>>)
      tpu.yield
    }) : () -> ()
    %barrier3A_143 = arith.constant 0 : index
    tpu.barrier barrier_id(%barrier3A_143)
    %dma_start3A_144 = arith.constant 0 : i32
    %dma_start3A_145 = arith.constant 0 : i32
    %dma_start3A_146 = tpu.memref_slice %arg6[%dma_start3A_144, %dma_start3A_145] : memref<160x128xi32, #tpu.memory_space<vmem>> -> memref<1x128xi32, #tpu.memory_space<vmem>>
    %dma_start3A_147 = tpu.memref_squeeze %dma_start3A_146 : memref<1x128xi32, #tpu.memory_space<vmem>> -> memref<128xi32, #tpu.memory_space<vmem>>
    %dma_start3A_148 = arith.constant 0 : i32
    %dma_start3A_149 = arith.constant 0 : i32
    %dma_start3A_150 = tpu.memref_slice %arg17[%dma_start3A_148, %dma_start3A_149] : memref<10248x16xf32, #tpu.memory_space<vmem_shared>> -> memref<10248x16xf32, #tpu.memory_space<vmem_shared>>
    tpu.enqueue_indirect_dma source(%dma_start3A_150 : memref<10248x16xf32, #tpu.memory_space<vmem_shared>>) target(%arg8 : memref<128x16xf32, #tpu.memory_space<vmem>>) offsets(%dma_start3A_147 : memref<128xi32, #tpu.memory_space<vmem>>) semaphore(%arg20 : memref<!tpu.dma_semaphore, #tpu.memory_space<semaphore_mem>>)
    %dma_start3A_151 = arith.constant 1 : i32
    %dma_start3A_152 = arith.constant 0 : i32
    %dma_start3A_153 = tpu.memref_slice %arg6[%dma_start3A_151, %dma_start3A_152] : memref<160x128xi32, #tpu.memory_space<vmem>> -> memref<1x128xi32, #tpu.memory_space<vmem>>
    %dma_start3A_154 = tpu.memref_squeeze %dma_start3A_153 : memref<1x128xi32, #tpu.memory_space<vmem>> -> memref<128xi32, #tpu.memory_space<vmem>>
    %dma_start3A_155 = arith.constant 0 : i32
    %dma_start3A_156 = arith.constant 0 : i32
    %dma_start3A_157 = tpu.memref_slice %arg17[%dma_start3A_155, %dma_start3A_156] : memref<10248x16xf32, #tpu.memory_space<vmem_shared>> -> memref<10248x16xf32, #tpu.memory_space<vmem_shared>>
    tpu.enqueue_indirect_dma source(%dma_start3A_157 : memref<10248x16xf32, #tpu.memory_space<vmem_shared>>) target(%arg9 : memref<128x16xf32, #tpu.memory_space<vmem>>) offsets(%dma_start3A_154 : memref<128xi32, #tpu.memory_space<vmem>>) semaphore(%arg21 : memref<!tpu.dma_semaphore, #tpu.memory_space<semaphore_mem>>)
    %dma_start3A_158 = arith.constant 2 : i32
    %dma_start3A_159 = arith.constant 0 : i32
    %dma_start3A_160 = tpu.memref_slice %arg6[%dma_start3A_158, %dma_start3A_159] : memref<160x128xi32, #tpu.memory_space<vmem>> -> memref<1x128xi32, #tpu.memory_space<vmem>>
    %dma_start3A_161 = tpu.memref_squeeze %dma_start3A_160 : memref<1x128xi32, #tpu.memory_space<vmem>> -> memref<128xi32, #tpu.memory_space<vmem>>
    %dma_start3A_162 = arith.constant 0 : i32
    %dma_start3A_163 = arith.constant 0 : i32
    %dma_start3A_164 = tpu.memref_slice %arg17[%dma_start3A_162, %dma_start3A_163] : memref<10248x16xf32, #tpu.memory_space<vmem_shared>> -> memref<10248x16xf32, #tpu.memory_space<vmem_shared>>
    tpu.enqueue_indirect_dma source(%dma_start3A_164 : memref<10248x16xf32, #tpu.memory_space<vmem_shared>>) target(%arg10 : memref<128x16xf32, #tpu.memory_space<vmem>>) offsets(%dma_start3A_161 : memref<128xi32, #tpu.memory_space<vmem>>) semaphore(%arg22 : memref<!tpu.dma_semaphore, #tpu.memory_space<semaphore_mem>>)
    %scan3A_165 = arith.constant 0 : i32
    %scan3A_166 = arith.constant 40 : i32
    %scan3A_167 = arith.addi %scan3A_165, %scan3A_166 : i32
    %scan3A_168 = arith.constant 1 : i32
    scf.for %scan3A_205 = %scan3A_165 to %scan3A_167 step %scan3A_168  : i32 {
      %mul3A_206 = arith.constant 1 : i32
      %mul3A_207 = arith.muli %scan3A_205, %mul3A_206 : i32
      %add3A = arith.constant 0 : i32
      %add3A_208 = arith.addi %add3A, %mul3A_207 : i32
      %mul3A_209 = arith.constant 4 : i32
      %mul3A_210 = arith.muli %mul3A_209, %add3A_208 : i32
      %add3A_211 = arith.constant 0 : i32
      %add3A_212 = arith.addi %mul3A_210, %add3A_211 : i32
      %dma_wait3A_213 = arith.constant 0 : i32
      %dma_wait3A_214 = tpu.memref_slice %arg6[%add3A_212, %dma_wait3A_213] : memref<160x128xi32, #tpu.memory_space<vmem>> -> memref<1x128xi32, #tpu.memory_space<vmem>>
      %dma_wait3A_215 = tpu.memref_squeeze %dma_wait3A_214 : memref<1x128xi32, #tpu.memory_space<vmem>> -> memref<128xi32, #tpu.memory_space<vmem>>
      %dma_wait3A_216 = arith.constant 0 : i32
      %dma_wait3A_217 = arith.constant 0 : i32
      %dma_wait3A_218 = tpu.memref_slice %arg17[%dma_wait3A_216, %dma_wait3A_217] : memref<10248x16xf32, #tpu.memory_space<vmem_shared>> -> memref<10248x16xf32, #tpu.memory_space<vmem_shared>>
      tpu.wait_indirect_dma semaphore(%arg20 : memref<!tpu.dma_semaphore, #tpu.memory_space<semaphore_mem>>) src(%dma_wait3A_218 : memref<10248x16xf32, #tpu.memory_space<vmem_shared>>) dst(%arg8 : memref<128x16xf32, #tpu.memory_space<vmem>>)
      %dma_start3A_219 = arith.constant 0 : i32
      %dma_start3A_220 = tpu.memref_slice %arg7[%add3A_212, %dma_start3A_219] : memref<160x128xi32, #tpu.memory_space<vmem>> -> memref<1x128xi32, #tpu.memory_space<vmem>>
      %dma_start3A_221 = tpu.memref_squeeze %dma_start3A_220 : memref<1x128xi32, #tpu.memory_space<vmem>> -> memref<128xi32, #tpu.memory_space<vmem>>
      %dma_start3A_222 = arith.constant 0 : i32
      %dma_start3A_223 = arith.constant 0 : i32
      %dma_start3A_224 = tpu.memref_slice %arg18[%dma_start3A_222, %dma_start3A_223] : memref<10248x16xf32, #tpu.memory_space<vmem_shared>> -> memref<10248x16xf32, #tpu.memory_space<vmem_shared>>
      tpu.enqueue_indirect_dma source(%arg8 : memref<128x16xf32, #tpu.memory_space<vmem>>) target(%dma_start3A_224 : memref<10248x16xf32, #tpu.memory_space<vmem_shared>>) offsets(%dma_start3A_221 : memref<128xi32, #tpu.memory_space<vmem>>) semaphore(%arg24 : memref<!tpu.dma_semaphore, #tpu.memory_space<semaphore_mem>>) {add = true}
      %add3A_225 = arith.constant 4 : i32
      %add3A_226 = arith.addi %add3A_212, %add3A_225 : i32
      %sub3A = arith.constant 1 : i32
      %sub3A_227 = arith.subi %add3A_226, %sub3A : i32
      %lt3A = arith.constant 160 : i32
      %lt3A_228 = arith.cmpi slt, %sub3A_227, %lt3A : i32
      %convert_element_type3A = arith.extui %lt3A_228 : i1 to i32
      %cond3A = arith.constant 0 : i32
      %cond3A_229 = arith.cmpi ne, %convert_element_type3A, %cond3A : i32
      scf.if %cond3A_229 {
        %gt3A = arith.constant 0 : i32
        %gt3A_305 = arith.cmpi sgt, %add3A_212, %gt3A : i32
        %convert_element_type3A_306 = arith.extui %gt3A_305 : i1 to i32
        %cond3A_307 = arith.constant 0 : i32
        %cond3A_308 = arith.cmpi ne, %convert_element_type3A_306, %cond3A_307 : i32
        scf.if %cond3A_308 {
          %dma_wait3A_319 = arith.constant 0 : i32
          %dma_wait3A_320 = arith.constant 0 : i32
          %dma_wait3A_321 = tpu.memref_slice %arg7[%dma_wait3A_319, %dma_wait3A_320] : memref<160x128xi32, #tpu.memory_space<vmem>> -> memref<1x128xi32, #tpu.memory_space<vmem>>
          %dma_wait3A_322 = tpu.memref_squeeze %dma_wait3A_321 : memref<1x128xi32, #tpu.memory_space<vmem>> -> memref<128xi32, #tpu.memory_space<vmem>>
          %dma_wait3A_323 = arith.constant 0 : i32
          %dma_wait3A_324 = arith.constant 0 : i32
          %dma_wait3A_325 = tpu.memref_slice %arg18[%dma_wait3A_323, %dma_wait3A_324] : memref<10248x16xf32, #tpu.memory_space<vmem_shared>> -> memref<10248x16xf32, #tpu.memory_space<vmem_shared>>
          tpu.wait_indirect_dma semaphore(%arg27 : memref<!tpu.dma_semaphore, #tpu.memory_space<semaphore_mem>>) src(%arg11 : memref<128x16xf32, #tpu.memory_space<vmem>>) dst(%dma_wait3A_325 : memref<10248x16xf32, #tpu.memory_space<vmem_shared>>)
        } else {
        }
        %add3A_309 = arith.constant 4 : i32
        %add3A_310 = arith.addi %add3A_212, %add3A_309 : i32
        %sub3A_311 = arith.constant 1 : i32
        %sub3A_312 = arith.subi %add3A_310, %sub3A_311 : i32
        %dma_start3A_313 = arith.constant 0 : i32
        %dma_start3A_314 = tpu.memref_slice %arg6[%sub3A_312, %dma_start3A_313] : memref<160x128xi32, #tpu.memory_space<vmem>> -> memref<1x128xi32, #tpu.memory_space<vmem>>
        %dma_start3A_315 = tpu.memref_squeeze %dma_start3A_314 : memref<1x128xi32, #tpu.memory_space<vmem>> -> memref<128xi32, #tpu.memory_space<vmem>>
        %dma_start3A_316 = arith.constant 0 : i32
        %dma_start3A_317 = arith.constant 0 : i32
        %dma_start3A_318 = tpu.memref_slice %arg17[%dma_start3A_316, %dma_start3A_317] : memref<10248x16xf32, #tpu.memory_space<vmem_shared>> -> memref<10248x16xf32, #tpu.memory_space<vmem_shared>>
        tpu.enqueue_indirect_dma source(%dma_start3A_318 : memref<10248x16xf32, #tpu.memory_space<vmem_shared>>) target(%arg11 : memref<128x16xf32, #tpu.memory_space<vmem>>) offsets(%dma_start3A_315 : memref<128xi32, #tpu.memory_space<vmem>>) semaphore(%arg23 : memref<!tpu.dma_semaphore, #tpu.memory_space<semaphore_mem>>)
      } else {
      }
      %mul3A_230 = arith.constant 4 : i32
      %mul3A_231 = arith.muli %mul3A_230, %add3A_208 : i32
      %add3A_232 = arith.constant 1 : i32
      %add3A_233 = arith.addi %mul3A_231, %add3A_232 : i32
      %dma_wait3A_234 = arith.constant 0 : i32
      %dma_wait3A_235 = tpu.memref_slice %arg6[%add3A_233, %dma_wait3A_234] : memref<160x128xi32, #tpu.memory_space<vmem>> -> memref<1x128xi32, #tpu.memory_space<vmem>>
      %dma_wait3A_236 = tpu.memref_squeeze %dma_wait3A_235 : memref<1x128xi32, #tpu.memory_space<vmem>> -> memref<128xi32, #tpu.memory_space<vmem>>
      %dma_wait3A_237 = arith.constant 0 : i32
      %dma_wait3A_238 = arith.constant 0 : i32
      %dma_wait3A_239 = tpu.memref_slice %arg17[%dma_wait3A_237, %dma_wait3A_238] : memref<10248x16xf32, #tpu.memory_space<vmem_shared>> -> memref<10248x16xf32, #tpu.memory_space<vmem_shared>>
      tpu.wait_indirect_dma semaphore(%arg21 : memref<!tpu.dma_semaphore, #tpu.memory_space<semaphore_mem>>) src(%dma_wait3A_239 : memref<10248x16xf32, #tpu.memory_space<vmem_shared>>) dst(%arg9 : memref<128x16xf32, #tpu.memory_space<vmem>>)
      %dma_start3A_240 = arith.constant 0 : i32
      %dma_start3A_241 = tpu.memref_slice %arg7[%add3A_233, %dma_start3A_240] : memref<160x128xi32, #tpu.memory_space<vmem>> -> memref<1x128xi32, #tpu.memory_space<vmem>>
      %dma_start3A_242 = tpu.memref_squeeze %dma_start3A_241 : memref<1x128xi32, #tpu.memory_space<vmem>> -> memref<128xi32, #tpu.memory_space<vmem>>
      %dma_start3A_243 = arith.constant 0 : i32
      %dma_start3A_244 = arith.constant 0 : i32
      %dma_start3A_245 = tpu.memref_slice %arg18[%dma_start3A_243, %dma_start3A_244] : memref<10248x16xf32, #tpu.memory_space<vmem_shared>> -> memref<10248x16xf32, #tpu.memory_space<vmem_shared>>
      tpu.enqueue_indirect_dma source(%arg9 : memref<128x16xf32, #tpu.memory_space<vmem>>) target(%dma_start3A_245 : memref<10248x16xf32, #tpu.memory_space<vmem_shared>>) offsets(%dma_start3A_242 : memref<128xi32, #tpu.memory_space<vmem>>) semaphore(%arg25 : memref<!tpu.dma_semaphore, #tpu.memory_space<semaphore_mem>>) {add = true}
      %add3A_246 = arith.constant 4 : i32
      %add3A_247 = arith.addi %add3A_233, %add3A_246 : i32
      %sub3A_248 = arith.constant 1 : i32
      %sub3A_249 = arith.subi %add3A_247, %sub3A_248 : i32
      %lt3A_250 = arith.constant 160 : i32
      %lt3A_251 = arith.cmpi slt, %sub3A_249, %lt3A_250 : i32
      %convert_element_type3A_252 = arith.extui %lt3A_251 : i1 to i32
      %cond3A_253 = arith.constant 0 : i32
      %cond3A_254 = arith.cmpi ne, %convert_element_type3A_252, %cond3A_253 : i32
      scf.if %cond3A_254 {
        %gt3A = arith.constant 0 : i32
        %gt3A_305 = arith.cmpi sgt, %add3A_233, %gt3A : i32
        %convert_element_type3A_306 = arith.extui %gt3A_305 : i1 to i32
        %cond3A_307 = arith.constant 0 : i32
        %cond3A_308 = arith.cmpi ne, %convert_element_type3A_306, %cond3A_307 : i32
        scf.if %cond3A_308 {
          %dma_wait3A_319 = arith.constant 0 : i32
          %dma_wait3A_320 = arith.constant 0 : i32
          %dma_wait3A_321 = tpu.memref_slice %arg7[%dma_wait3A_319, %dma_wait3A_320] : memref<160x128xi32, #tpu.memory_space<vmem>> -> memref<1x128xi32, #tpu.memory_space<vmem>>
          %dma_wait3A_322 = tpu.memref_squeeze %dma_wait3A_321 : memref<1x128xi32, #tpu.memory_space<vmem>> -> memref<128xi32, #tpu.memory_space<vmem>>
          %dma_wait3A_323 = arith.constant 0 : i32
          %dma_wait3A_324 = arith.constant 0 : i32
          %dma_wait3A_325 = tpu.memref_slice %arg18[%dma_wait3A_323, %dma_wait3A_324] : memref<10248x16xf32, #tpu.memory_space<vmem_shared>> -> memref<10248x16xf32, #tpu.memory_space<vmem_shared>>
          tpu.wait_indirect_dma semaphore(%arg24 : memref<!tpu.dma_semaphore, #tpu.memory_space<semaphore_mem>>) src(%arg8 : memref<128x16xf32, #tpu.memory_space<vmem>>) dst(%dma_wait3A_325 : memref<10248x16xf32, #tpu.memory_space<vmem_shared>>)
        } else {
        }
        %add3A_309 = arith.constant 4 : i32
        %add3A_310 = arith.addi %add3A_233, %add3A_309 : i32
        %sub3A_311 = arith.constant 1 : i32
        %sub3A_312 = arith.subi %add3A_310, %sub3A_311 : i32
        %dma_start3A_313 = arith.constant 0 : i32
        %dma_start3A_314 = tpu.memref_slice %arg6[%sub3A_312, %dma_start3A_313] : memref<160x128xi32, #tpu.memory_space<vmem>> -> memref<1x128xi32, #tpu.memory_space<vmem>>
        %dma_start3A_315 = tpu.memref_squeeze %dma_start3A_314 : memref<1x128xi32, #tpu.memory_space<vmem>> -> memref<128xi32, #tpu.memory_space<vmem>>
        %dma_start3A_316 = arith.constant 0 : i32
        %dma_start3A_317 = arith.constant 0 : i32
        %dma_start3A_318 = tpu.memref_slice %arg17[%dma_start3A_316, %dma_start3A_317] : memref<10248x16xf32, #tpu.memory_space<vmem_shared>> -> memref<10248x16xf32, #tpu.memory_space<vmem_shared>>
        tpu.enqueue_indirect_dma source(%dma_start3A_318 : memref<10248x16xf32, #tpu.memory_space<vmem_shared>>) target(%arg8 : memref<128x16xf32, #tpu.memory_space<vmem>>) offsets(%dma_start3A_315 : memref<128xi32, #tpu.memory_space<vmem>>) semaphore(%arg20 : memref<!tpu.dma_semaphore, #tpu.memory_space<semaphore_mem>>)
      } else {
      }
      %mul3A_255 = arith.constant 4 : i32
      %mul3A_256 = arith.muli %mul3A_255, %add3A_208 : i32
      %add3A_257 = arith.constant 2 : i32
      %add3A_258 = arith.addi %mul3A_256, %add3A_257 : i32
      %dma_wait3A_259 = arith.constant 0 : i32
      %dma_wait3A_260 = tpu.memref_slice %arg6[%add3A_258, %dma_wait3A_259] : memref<160x128xi32, #tpu.memory_space<vmem>> -> memref<1x128xi32, #tpu.memory_space<vmem>>
      %dma_wait3A_261 = tpu.memref_squeeze %dma_wait3A_260 : memref<1x128xi32, #tpu.memory_space<vmem>> -> memref<128xi32, #tpu.memory_space<vmem>>
      %dma_wait3A_262 = arith.constant 0 : i32
      %dma_wait3A_263 = arith.constant 0 : i32
      %dma_wait3A_264 = tpu.memref_slice %arg17[%dma_wait3A_262, %dma_wait3A_263] : memref<10248x16xf32, #tpu.memory_space<vmem_shared>> -> memref<10248x16xf32, #tpu.memory_space<vmem_shared>>
      tpu.wait_indirect_dma semaphore(%arg22 : memref<!tpu.dma_semaphore, #tpu.memory_space<semaphore_mem>>) src(%dma_wait3A_264 : memref<10248x16xf32, #tpu.memory_space<vmem_shared>>) dst(%arg10 : memref<128x16xf32, #tpu.memory_space<vmem>>)
      %dma_start3A_265 = arith.constant 0 : i32
      %dma_start3A_266 = tpu.memref_slice %arg7[%add3A_258, %dma_start3A_265] : memref<160x128xi32, #tpu.memory_space<vmem>> -> memref<1x128xi32, #tpu.memory_space<vmem>>
      %dma_start3A_267 = tpu.memref_squeeze %dma_start3A_266 : memref<1x128xi32, #tpu.memory_space<vmem>> -> memref<128xi32, #tpu.memory_space<vmem>>
      %dma_start3A_268 = arith.constant 0 : i32
      %dma_start3A_269 = arith.constant 0 : i32
      %dma_start3A_270 = tpu.memref_slice %arg18[%dma_start3A_268, %dma_start3A_269] : memref<10248x16xf32, #tpu.memory_space<vmem_shared>> -> memref<10248x16xf32, #tpu.memory_space<vmem_shared>>
      tpu.enqueue_indirect_dma source(%arg10 : memref<128x16xf32, #tpu.memory_space<vmem>>) target(%dma_start3A_270 : memref<10248x16xf32, #tpu.memory_space<vmem_shared>>) offsets(%dma_start3A_267 : memref<128xi32, #tpu.memory_space<vmem>>) semaphore(%arg26 : memref<!tpu.dma_semaphore, #tpu.memory_space<semaphore_mem>>) {add = true}
      %add3A_271 = arith.constant 4 : i32
      %add3A_272 = arith.addi %add3A_258, %add3A_271 : i32
      %sub3A_273 = arith.constant 1 : i32
      %sub3A_274 = arith.subi %add3A_272, %sub3A_273 : i32
      %lt3A_275 = arith.constant 160 : i32
      %lt3A_276 = arith.cmpi slt, %sub3A_274, %lt3A_275 : i32
      %convert_element_type3A_277 = arith.extui %lt3A_276 : i1 to i32
      %cond3A_278 = arith.constant 0 : i32
      %cond3A_279 = arith.cmpi ne, %convert_element_type3A_277, %cond3A_278 : i32
      scf.if %cond3A_279 {
        %gt3A = arith.constant 0 : i32
        %gt3A_305 = arith.cmpi sgt, %add3A_258, %gt3A : i32
        %convert_element_type3A_306 = arith.extui %gt3A_305 : i1 to i32
        %cond3A_307 = arith.constant 0 : i32
        %cond3A_308 = arith.cmpi ne, %convert_element_type3A_306, %cond3A_307 : i32
        scf.if %cond3A_308 {
          %dma_wait3A_319 = arith.constant 0 : i32
          %dma_wait3A_320 = arith.constant 0 : i32
          %dma_wait3A_321 = tpu.memref_slice %arg7[%dma_wait3A_319, %dma_wait3A_320] : memref<160x128xi32, #tpu.memory_space<vmem>> -> memref<1x128xi32, #tpu.memory_space<vmem>>
          %dma_wait3A_322 = tpu.memref_squeeze %dma_wait3A_321 : memref<1x128xi32, #tpu.memory_space<vmem>> -> memref<128xi32, #tpu.memory_space<vmem>>
          %dma_wait3A_323 = arith.constant 0 : i32
          %dma_wait3A_324 = arith.constant 0 : i32
          %dma_wait3A_325 = tpu.memref_slice %arg18[%dma_wait3A_323, %dma_wait3A_324] : memref<10248x16xf32, #tpu.memory_space<vmem_shared>> -> memref<10248x16xf32, #tpu.memory_space<vmem_shared>>
          tpu.wait_indirect_dma semaphore(%arg25 : memref<!tpu.dma_semaphore, #tpu.memory_space<semaphore_mem>>) src(%arg9 : memref<128x16xf32, #tpu.memory_space<vmem>>) dst(%dma_wait3A_325 : memref<10248x16xf32, #tpu.memory_space<vmem_shared>>)
        } else {
        }
        %add3A_309 = arith.constant 4 : i32
        %add3A_310 = arith.addi %add3A_258, %add3A_309 : i32
        %sub3A_311 = arith.constant 1 : i32
        %sub3A_312 = arith.subi %add3A_310, %sub3A_311 : i32
        %dma_start3A_313 = arith.constant 0 : i32
        %dma_start3A_314 = tpu.memref_slice %arg6[%sub3A_312, %dma_start3A_313] : memref<160x128xi32, #tpu.memory_space<vmem>> -> memref<1x128xi32, #tpu.memory_space<vmem>>
        %dma_start3A_315 = tpu.memref_squeeze %dma_start3A_314 : memref<1x128xi32, #tpu.memory_space<vmem>> -> memref<128xi32, #tpu.memory_space<vmem>>
        %dma_start3A_316 = arith.constant 0 : i32
        %dma_start3A_317 = arith.constant 0 : i32
        %dma_start3A_318 = tpu.memref_slice %arg17[%dma_start3A_316, %dma_start3A_317] : memref<10248x16xf32, #tpu.memory_space<vmem_shared>> -> memref<10248x16xf32, #tpu.memory_space<vmem_shared>>
        tpu.enqueue_indirect_dma source(%dma_start3A_318 : memref<10248x16xf32, #tpu.memory_space<vmem_shared>>) target(%arg9 : memref<128x16xf32, #tpu.memory_space<vmem>>) offsets(%dma_start3A_315 : memref<128xi32, #tpu.memory_space<vmem>>) semaphore(%arg21 : memref<!tpu.dma_semaphore, #tpu.memory_space<semaphore_mem>>)
      } else {
      }
      %mul3A_280 = arith.constant 4 : i32
      %mul3A_281 = arith.muli %mul3A_280, %add3A_208 : i32
      %add3A_282 = arith.constant 3 : i32
      %add3A_283 = arith.addi %mul3A_281, %add3A_282 : i32
      %dma_wait3A_284 = arith.constant 0 : i32
      %dma_wait3A_285 = tpu.memref_slice %arg6[%add3A_283, %dma_wait3A_284] : memref<160x128xi32, #tpu.memory_space<vmem>> -> memref<1x128xi32, #tpu.memory_space<vmem>>
      %dma_wait3A_286 = tpu.memref_squeeze %dma_wait3A_285 : memref<1x128xi32, #tpu.memory_space<vmem>> -> memref<128xi32, #tpu.memory_space<vmem>>
      %dma_wait3A_287 = arith.constant 0 : i32
      %dma_wait3A_288 = arith.constant 0 : i32
      %dma_wait3A_289 = tpu.memref_slice %arg17[%dma_wait3A_287, %dma_wait3A_288] : memref<10248x16xf32, #tpu.memory_space<vmem_shared>> -> memref<10248x16xf32, #tpu.memory_space<vmem_shared>>
      tpu.wait_indirect_dma semaphore(%arg23 : memref<!tpu.dma_semaphore, #tpu.memory_space<semaphore_mem>>) src(%dma_wait3A_289 : memref<10248x16xf32, #tpu.memory_space<vmem_shared>>) dst(%arg11 : memref<128x16xf32, #tpu.memory_space<vmem>>)
      %dma_start3A_290 = arith.constant 0 : i32
      %dma_start3A_291 = tpu.memref_slice %arg7[%add3A_283, %dma_start3A_290] : memref<160x128xi32, #tpu.memory_space<vmem>> -> memref<1x128xi32, #tpu.memory_space<vmem>>
      %dma_start3A_292 = tpu.memref_squeeze %dma_start3A_291 : memref<1x128xi32, #tpu.memory_space<vmem>> -> memref<128xi32, #tpu.memory_space<vmem>>
      %dma_start3A_293 = arith.constant 0 : i32
      %dma_start3A_294 = arith.constant 0 : i32
      %dma_start3A_295 = tpu.memref_slice %arg18[%dma_start3A_293, %dma_start3A_294] : memref<10248x16xf32, #tpu.memory_space<vmem_shared>> -> memref<10248x16xf32, #tpu.memory_space<vmem_shared>>
      tpu.enqueue_indirect_dma source(%arg11 : memref<128x16xf32, #tpu.memory_space<vmem>>) target(%dma_start3A_295 : memref<10248x16xf32, #tpu.memory_space<vmem_shared>>) offsets(%dma_start3A_292 : memref<128xi32, #tpu.memory_space<vmem>>) semaphore(%arg27 : memref<!tpu.dma_semaphore, #tpu.memory_space<semaphore_mem>>) {add = true}
      %add3A_296 = arith.constant 4 : i32
      %add3A_297 = arith.addi %add3A_283, %add3A_296 : i32
      %sub3A_298 = arith.constant 1 : i32
      %sub3A_299 = arith.subi %add3A_297, %sub3A_298 : i32
      %lt3A_300 = arith.constant 160 : i32
      %lt3A_301 = arith.cmpi slt, %sub3A_299, %lt3A_300 : i32
      %convert_element_type3A_302 = arith.extui %lt3A_301 : i1 to i32
      %cond3A_303 = arith.constant 0 : i32
      %cond3A_304 = arith.cmpi ne, %convert_element_type3A_302, %cond3A_303 : i32
      scf.if %cond3A_304 {
        %gt3A = arith.constant 0 : i32
        %gt3A_305 = arith.cmpi sgt, %add3A_283, %gt3A : i32
        %convert_element_type3A_306 = arith.extui %gt3A_305 : i1 to i32
        %cond3A_307 = arith.constant 0 : i32
        %cond3A_308 = arith.cmpi ne, %convert_element_type3A_306, %cond3A_307 : i32
        scf.if %cond3A_308 {
          %dma_wait3A_319 = arith.constant 0 : i32
          %dma_wait3A_320 = arith.constant 0 : i32
          %dma_wait3A_321 = tpu.memref_slice %arg7[%dma_wait3A_319, %dma_wait3A_320] : memref<160x128xi32, #tpu.memory_space<vmem>> -> memref<1x128xi32, #tpu.memory_space<vmem>>
          %dma_wait3A_322 = tpu.memref_squeeze %dma_wait3A_321 : memref<1x128xi32, #tpu.memory_space<vmem>> -> memref<128xi32, #tpu.memory_space<vmem>>
          %dma_wait3A_323 = arith.constant 0 : i32
          %dma_wait3A_324 = arith.constant 0 : i32
          %dma_wait3A_325 = tpu.memref_slice %arg18[%dma_wait3A_323, %dma_wait3A_324] : memref<10248x16xf32, #tpu.memory_space<vmem_shared>> -> memref<10248x16xf32, #tpu.memory_space<vmem_shared>>
          tpu.wait_indirect_dma semaphore(%arg26 : memref<!tpu.dma_semaphore, #tpu.memory_space<semaphore_mem>>) src(%arg10 : memref<128x16xf32, #tpu.memory_space<vmem>>) dst(%dma_wait3A_325 : memref<10248x16xf32, #tpu.memory_space<vmem_shared>>)
        } else {
        }
        %add3A_309 = arith.constant 4 : i32
        %add3A_310 = arith.addi %add3A_283, %add3A_309 : i32
        %sub3A_311 = arith.constant 1 : i32
        %sub3A_312 = arith.subi %add3A_310, %sub3A_311 : i32
        %dma_start3A_313 = arith.constant 0 : i32
        %dma_start3A_314 = tpu.memref_slice %arg6[%sub3A_312, %dma_start3A_313] : memref<160x128xi32, #tpu.memory_space<vmem>> -> memref<1x128xi32, #tpu.memory_space<vmem>>
        %dma_start3A_315 = tpu.memref_squeeze %dma_start3A_314 : memref<1x128xi32, #tpu.memory_space<vmem>> -> memref<128xi32, #tpu.memory_space<vmem>>
        %dma_start3A_316 = arith.constant 0 : i32
        %dma_start3A_317 = arith.constant 0 : i32
        %dma_start3A_318 = tpu.memref_slice %arg17[%dma_start3A_316, %dma_start3A_317] : memref<10248x16xf32, #tpu.memory_space<vmem_shared>> -> memref<10248x16xf32, #tpu.memory_space<vmem_shared>>
        tpu.enqueue_indirect_dma source(%dma_start3A_318 : memref<10248x16xf32, #tpu.memory_space<vmem_shared>>) target(%arg10 : memref<128x16xf32, #tpu.memory_space<vmem>>) offsets(%dma_start3A_315 : memref<128xi32, #tpu.memory_space<vmem>>) semaphore(%arg22 : memref<!tpu.dma_semaphore, #tpu.memory_space<semaphore_mem>>)
      } else {
      }
    }
    %scan3A_169 = arith.constant 40 : i32
    %dma_wait3A_170 = arith.constant 0 : i32
    %dma_wait3A_171 = arith.constant 0 : i32
    %dma_wait3A_172 = tpu.memref_slice %arg7[%dma_wait3A_170, %dma_wait3A_171] : memref<160x128xi32, #tpu.memory_space<vmem>> -> memref<1x128xi32, #tpu.memory_space<vmem>>
    %dma_wait3A_173 = tpu.memref_squeeze %dma_wait3A_172 : memref<1x128xi32, #tpu.memory_space<vmem>> -> memref<128xi32, #tpu.memory_space<vmem>>
    %dma_wait3A_174 = arith.constant 0 : i32
    %dma_wait3A_175 = arith.constant 0 : i32
    %dma_wait3A_176 = tpu.memref_slice %arg18[%dma_wait3A_174, %dma_wait3A_175] : memref<10248x16xf32, #tpu.memory_space<vmem_shared>> -> memref<10248x16xf32, #tpu.memory_space<vmem_shared>>
    tpu.wait_indirect_dma semaphore(%arg24 : memref<!tpu.dma_semaphore, #tpu.memory_space<semaphore_mem>>) src(%arg8 : memref<128x16xf32, #tpu.memory_space<vmem>>) dst(%dma_wait3A_176 : memref<10248x16xf32, #tpu.memory_space<vmem_shared>>)
    %dma_wait3A_177 = arith.constant 0 : i32
    %dma_wait3A_178 = arith.constant 0 : i32
    %dma_wait3A_179 = tpu.memref_slice %arg7[%dma_wait3A_177, %dma_wait3A_178] : memref<160x128xi32, #tpu.memory_space<vmem>> -> memref<1x128xi32, #tpu.memory_space<vmem>>
    %dma_wait3A_180 = tpu.memref_squeeze %dma_wait3A_179 : memref<1x128xi32, #tpu.memory_space<vmem>> -> memref<128xi32, #tpu.memory_space<vmem>>
    %dma_wait3A_181 = arith.constant 0 : i32
    %dma_wait3A_182 = arith.constant 0 : i32
    %dma_wait3A_183 = tpu.memref_slice %arg18[%dma_wait3A_181, %dma_wait3A_182] : memref<10248x16xf32, #tpu.memory_space<vmem_shared>> -> memref<10248x16xf32, #tpu.memory_space<vmem_shared>>
    tpu.wait_indirect_dma semaphore(%arg25 : memref<!tpu.dma_semaphore, #tpu.memory_space<semaphore_mem>>) src(%arg9 : memref<128x16xf32, #tpu.memory_space<vmem>>) dst(%dma_wait3A_183 : memref<10248x16xf32, #tpu.memory_space<vmem_shared>>)
    %dma_wait3A_184 = arith.constant 0 : i32
    %dma_wait3A_185 = arith.constant 0 : i32
    %dma_wait3A_186 = tpu.memref_slice %arg7[%dma_wait3A_184, %dma_wait3A_185] : memref<160x128xi32, #tpu.memory_space<vmem>> -> memref<1x128xi32, #tpu.memory_space<vmem>>
    %dma_wait3A_187 = tpu.memref_squeeze %dma_wait3A_186 : memref<1x128xi32, #tpu.memory_space<vmem>> -> memref<128xi32, #tpu.memory_space<vmem>>
    %dma_wait3A_188 = arith.constant 0 : i32
    %dma_wait3A_189 = arith.constant 0 : i32
    %dma_wait3A_190 = tpu.memref_slice %arg18[%dma_wait3A_188, %dma_wait3A_189] : memref<10248x16xf32, #tpu.memory_space<vmem_shared>> -> memref<10248x16xf32, #tpu.memory_space<vmem_shared>>
    tpu.wait_indirect_dma semaphore(%arg26 : memref<!tpu.dma_semaphore, #tpu.memory_space<semaphore_mem>>) src(%arg10 : memref<128x16xf32, #tpu.memory_space<vmem>>) dst(%dma_wait3A_190 : memref<10248x16xf32, #tpu.memory_space<vmem_shared>>)
    %dma_wait3A_191 = arith.constant 0 : i32
    %dma_wait3A_192 = arith.constant 0 : i32
    %dma_wait3A_193 = tpu.memref_slice %arg7[%dma_wait3A_191, %dma_wait3A_192] : memref<160x128xi32, #tpu.memory_space<vmem>> -> memref<1x128xi32, #tpu.memory_space<vmem>>
    %dma_wait3A_194 = tpu.memref_squeeze %dma_wait3A_193 : memref<1x128xi32, #tpu.memory_space<vmem>> -> memref<128xi32, #tpu.memory_space<vmem>>
    %dma_wait3A_195 = arith.constant 0 : i32
    %dma_wait3A_196 = arith.constant 0 : i32
    %dma_wait3A_197 = tpu.memref_slice %arg18[%dma_wait3A_195, %dma_wait3A_196] : memref<10248x16xf32, #tpu.memory_space<vmem_shared>> -> memref<10248x16xf32, #tpu.memory_space<vmem_shared>>
    tpu.wait_indirect_dma semaphore(%arg27 : memref<!tpu.dma_semaphore, #tpu.memory_space<semaphore_mem>>) src(%arg11 : memref<128x16xf32, #tpu.memory_space<vmem>>) dst(%dma_wait3A_197 : memref<10248x16xf32, #tpu.memory_space<vmem_shared>>)
    %barrier3A_198 = arith.constant 0 : index
    tpu.barrier barrier_id(%barrier3A_198)
    "tpu.region"() ({
      %run_scoped3A = tpu.sem_alloc : memref<!tpu.dma_semaphore, #tpu.memory_space<semaphore_mem>>
      %dma_start3A_205 = arith.constant 0 : i32
      %dma_start3A_206 = tpu.memref_slice %arg18[%mul3A_0, %dma_start3A_205] : memref<10248x16xf32, #tpu.memory_space<vmem_shared>> -> memref<640x16xf32, #tpu.memory_space<vmem_shared>>
      %dma_start3A_207 = arith.constant 0 : i32
      %dma_start3A_208 = tpu.memref_slice %arg18[%mul3A_0, %dma_start3A_207] : memref<10248x16xf32, #tpu.memory_space<vmem_shared>> -> memref<640x16xf32, #tpu.memory_space<vmem_shared>>
      tpu.enqueue_dma source(%dma_start3A_208 : memref<640x16xf32, #tpu.memory_space<vmem_shared>>) target(%arg13 : memref<640x16xf32, #tpu.memory_space<vmem>>) target_semaphore(%run_scoped3A : memref<!tpu.dma_semaphore, #tpu.memory_space<semaphore_mem>>)
      %dma_wait3A_209 = arith.constant 0 : i32
      %dma_wait3A_210 = tpu.memref_slice %arg18[%mul3A_0, %dma_wait3A_209] : memref<10248x16xf32, #tpu.memory_space<vmem_shared>> -> memref<640x16xf32, #tpu.memory_space<vmem_shared>>
      %dma_wait3A_211 = arith.constant 0 : i32
      %dma_wait3A_212 = tpu.memref_slice %arg18[%mul3A_0, %dma_wait3A_211] : memref<10248x16xf32, #tpu.memory_space<vmem_shared>> -> memref<640x16xf32, #tpu.memory_space<vmem_shared>>
      tpu.wait_dma2 semaphore(%run_scoped3A : memref<!tpu.dma_semaphore, #tpu.memory_space<semaphore_mem>>) src(%dma_wait3A_212 : memref<640x16xf32, #tpu.memory_space<vmem_shared>>) dst(%arg13 : memref<640x16xf32, #tpu.memory_space<vmem>>)
      tpu.yield
    }) : () -> ()
    %scan3A_199 = arith.constant 0 : i32
    %scan3A_200 = arith.constant 640 : i32
    %scan3A_201 = arith.addi %scan3A_199, %scan3A_200 : i32
    %scan3A_202 = arith.constant 1 : i32
    scf.for %scan3A_205 = %scan3A_199 to %scan3A_201 step %scan3A_202  : i32 {
      %mul3A_206 = arith.constant 1 : i32
      %mul3A_207 = arith.muli %scan3A_205, %mul3A_206 : i32
      %add3A = arith.constant 0 : i32
      %add3A_208 = arith.addi %add3A, %mul3A_207 : i32
      %get3A = arith.index_cast %add3A_208 : i32 to index
      %get3A_209 = arith.constant 0 : index
      %get3A_210 = tpu.vector_load %arg13[%get3A, %get3A_209] {strides = array<i32>} : memref<640x16xf32, #tpu.memory_space<vmem>>, vector<1x16xf32>,
      %get3A_211 = vector.shape_cast %get3A_210 : vector<1x16xf32> to vector<16xf32>
      %get3A_212 = arith.index_cast %add3A_208 : i32 to index
      %get3A_213 = arith.constant 0 : index
      %get3A_214 = tpu.vector_load %arg14[%get3A_212, %get3A_213] {strides = array<i32>} : memref<640x16xf32, #tpu.memory_space<vmem>>, vector<1x16xf32>,
      %get3A_215 = vector.shape_cast %get3A_214 : vector<1x16xf32> to vector<16xf32>
      %mul3A_216 = arith.mulf %get3A_211, %get3A_215 : vector<16xf32>
      %get3A_217 = arith.index_cast %add3A_208 : i32 to index
      %get3A_218 = arith.constant 0 : index
      %get3A_219 = tpu.vector_load %arg15[%get3A_217, %get3A_218] {strides = array<i32>} : memref<640x16xf32, #tpu.memory_space<vmem>>, vector<1x16xf32>,
      %get3A_220 = vector.shape_cast %get3A_219 : vector<1x16xf32> to vector<16xf32>
      %mul3A_221 = arith.constant 1.000000e-01 : f32
      %mul3A_222 = vector.broadcast %mul3A_221 : f32 to vector<16xf32>
      %mul3A_223 = arith.mulf %mul3A_222, %get3A_220 : vector<16xf32>
      %add3A_224 = arith.addf %mul3A_216, %mul3A_223 : vector<16xf32>
      %swap3A = arith.index_cast %add3A_208 : i32 to index
      %swap3A_225 = arith.constant 0 : index
      %swap3A_226 = tpu.vector_load %arg13[%swap3A, %swap3A_225] {strides = array<i32>} : memref<640x16xf32, #tpu.memory_space<vmem>>, vector<1x16xf32>,
      %swap3A_227 = vector.shape_cast %swap3A_226 : vector<1x16xf32> to vector<16xf32>
      %swap3A_228 = vector.shape_cast %add3A_224 : vector<16xf32> to vector<1x16xf32>
      tpu.vector_store %arg13[%swap3A, %swap3A_225], %swap3A_228 {strides = array<i32>} : memref<640x16xf32, #tpu.memory_space<vmem>>, vector<1x16xf32>,
    }
    %scan3A_203 = arith.constant 640 : i32
    "tpu.region"() ({
      %run_scoped3A = tpu.sem_alloc : memref<!tpu.dma_semaphore, #tpu.memory_space<semaphore_mem>>
      %dma_start3A_205 = arith.constant 0 : i32
      %dma_start3A_206 = tpu.memref_slice %arg5[%arg0, %mul3A_0, %dma_start3A_205] : memref<2x10240x16xf32, #tpu.memory_space<hbm>> -> memref<1x640x16xf32, #tpu.memory_space<hbm>>
      %dma_start3A_207 = tpu.memref_squeeze %dma_start3A_206 : memref<1x640x16xf32, #tpu.memory_space<hbm>> -> memref<640x16xf32, #tpu.memory_space<hbm>>
      %dma_start3A_208 = arith.constant 0 : i32
      %dma_start3A_209 = tpu.memref_slice %arg5[%arg0, %mul3A_0, %dma_start3A_208] : memref<2x10240x16xf32, #tpu.memory_space<hbm>> -> memref<1x640x16xf32, #tpu.memory_space<hbm>>
      %dma_start3A_210 = tpu.memref_squeeze %dma_start3A_209 : memref<1x640x16xf32, #tpu.memory_space<hbm>> -> memref<640x16xf32, #tpu.memory_space<hbm>>
      tpu.enqueue_dma source(%arg13 : memref<640x16xf32, #tpu.memory_space<vmem>>) target(%dma_start3A_210 : memref<640x16xf32, #tpu.memory_space<hbm>>) target_semaphore(%run_scoped3A : memref<!tpu.dma_semaphore, #tpu.memory_space<semaphore_mem>>)
      %dma_wait3A_211 = arith.constant 0 : i32
      %dma_wait3A_212 = tpu.memref_slice %arg5[%arg0, %mul3A_0, %dma_wait3A_211] : memref<2x10240x16xf32, #tpu.memory_space<hbm>> -> memref<1x640x16xf32, #tpu.memory_space<hbm>>
      %dma_wait3A_213 = tpu.memref_squeeze %dma_wait3A_212 : memref<1x640x16xf32, #tpu.memory_space<hbm>> -> memref<640x16xf32, #tpu.memory_space<hbm>>
      %dma_wait3A_214 = arith.constant 0 : i32
      %dma_wait3A_215 = tpu.memref_slice %arg5[%arg0, %mul3A_0, %dma_wait3A_214] : memref<2x10240x16xf32, #tpu.memory_space<hbm>> -> memref<1x640x16xf32, #tpu.memory_space<hbm>>
      %dma_wait3A_216 = tpu.memref_squeeze %dma_wait3A_215 : memref<1x640x16xf32, #tpu.memory_space<hbm>> -> memref<640x16xf32, #tpu.memory_space<hbm>>
      tpu.wait_dma2 semaphore(%run_scoped3A : memref<!tpu.dma_semaphore, #tpu.memory_space<semaphore_mem>>) src(%arg13 : memref<640x16xf32, #tpu.memory_space<vmem>>) dst(%dma_wait3A_216 : memref<640x16xf32, #tpu.memory_space<hbm>>)
      tpu.yield
    }) : () -> ()
    %barrier3A_204 = arith.constant 0 : index
    tpu.barrier barrier_id(%barrier3A_204)
    return
  }
}

module attributes {stable_mosaic.version = 14 : i64} {
  func.func @_proj_body(%arg0: memref<10000x128xf32, #tpu.memory_space<vmem>>, %arg1: memref<4x10000x64xf32, #tpu.memory_space<vmem>>, %arg2: memref<128x16xf32, #tpu.memory_space<vmem>>, %arg3: memref<64x16xf32, #tpu.memory_space<vmem>>, %arg4: memref<1x16xf32, #tpu.memory_space<vmem>>, %arg5: memref<10240x16xf32, #tpu.memory_space<vmem>>) attributes {dimension_semantics = [], scalar_prefetch = 0 : i64, scratch_operands = 0 : i64, tpu.core_type = #tpu.core_type<tc>} {
    %get3A = arith.constant 0 : index
    %get3A_0 = arith.constant 0 : index
    %get3A_1 = arith.constant 0 : index
    %get3A_2 = vector.load %arg1[%get3A, %get3A_0, %get3A_1] : memref<4x10000x64xf32, #tpu.memory_space<vmem>>, vector<1x10000x64xf32>
    %get3A_3 = vector.shape_cast %get3A_2 : vector<1x10000x64xf32> to vector<10000x64xf32>
    %get3A_4 = arith.constant 1 : index
    %get3A_5 = arith.constant 0 : index
    %get3A_6 = arith.constant 0 : index
    %get3A_7 = vector.load %arg1[%get3A_4, %get3A_5, %get3A_6] : memref<4x10000x64xf32, #tpu.memory_space<vmem>>, vector<1x10000x64xf32>
    %get3A_8 = vector.shape_cast %get3A_7 : vector<1x10000x64xf32> to vector<10000x64xf32>
    %add3A = arith.addf %get3A_3, %get3A_8 : vector<10000x64xf32>
    %get3A_9 = arith.constant 2 : index
    %get3A_10 = arith.constant 0 : index
    %get3A_11 = arith.constant 0 : index
    %get3A_12 = vector.load %arg1[%get3A_9, %get3A_10, %get3A_11] : memref<4x10000x64xf32, #tpu.memory_space<vmem>>, vector<1x10000x64xf32>
    %get3A_13 = vector.shape_cast %get3A_12 : vector<1x10000x64xf32> to vector<10000x64xf32>
    %add3A_14 = arith.addf %add3A, %get3A_13 : vector<10000x64xf32>
    %get3A_15 = arith.constant 3 : index
    %get3A_16 = arith.constant 0 : index
    %get3A_17 = arith.constant 0 : index
    %get3A_18 = vector.load %arg1[%get3A_15, %get3A_16, %get3A_17] : memref<4x10000x64xf32, #tpu.memory_space<vmem>>, vector<1x10000x64xf32>
    %get3A_19 = vector.shape_cast %get3A_18 : vector<1x10000x64xf32> to vector<10000x64xf32>
    %add3A_20 = arith.addf %add3A_14, %get3A_19 : vector<10000x64xf32>
    %mul3A = arith.constant 2.500000e-01 : f32
    %mul3A_21 = vector.broadcast %mul3A : f32 to vector<10000x64xf32>
    %mul3A_22 = arith.mulf %add3A_20, %mul3A_21 : vector<10000x64xf32>
    %get3A_23 = arith.constant 0 : index
    %get3A_24 = arith.constant 0 : index
    %get3A_25 = vector.load %arg0[%get3A_23, %get3A_24] : memref<10000x128xf32, #tpu.memory_space<vmem>>, vector<10000x128xf32>
    %get3A_26 = arith.constant 0 : index
    %get3A_27 = arith.constant 0 : index
    %get3A_28 = vector.load %arg2[%get3A_26, %get3A_27] : memref<128x16xf32, #tpu.memory_space<vmem>>, vector<128x16xf32>
    %dot_general3A = arith.constant dense<0.000000e+00> : vector<10000x16xf32>
    %dot_general3A_29 = tpu.matmul %get3A_25, %get3A_28, %dot_general3A {dimension_numbers = #tpu.dot_dimension_numbers<[1], [0], [0], [1], [0, 0, 1, 1], [], []>, transpose_lhs_hint = false} : vector<10000x128xf32>, vector<128x16xf32>, vector<10000x16xf32> -> vector<10000x16xf32>
    %get3A_30 = arith.constant 0 : index
    %get3A_31 = arith.constant 0 : index
    %get3A_32 = vector.load %arg3[%get3A_30, %get3A_31] : memref<64x16xf32, #tpu.memory_space<vmem>>, vector<64x16xf32>
    %dot_general3A_33 = arith.constant dense<0.000000e+00> : vector<10000x16xf32>
    %dot_general3A_34 = tpu.matmul %mul3A_22, %get3A_32, %dot_general3A_33 {dimension_numbers = #tpu.dot_dimension_numbers<[1], [0], [0], [1], [0, 0, 1, 1], [], []>, transpose_lhs_hint = false} : vector<10000x64xf32>, vector<64x16xf32>, vector<10000x16xf32> -> vector<10000x16xf32>
    %add3A_35 = arith.addf %dot_general3A_29, %dot_general3A_34 : vector<10000x16xf32>
    %get3A_36 = arith.constant 0 : index
    %get3A_37 = arith.constant 0 : index
    %get3A_38 = vector.load %arg4[%get3A_36, %get3A_37] : memref<1x16xf32, #tpu.memory_space<vmem>>, vector<1x16xf32>
    %add3A_39 = vector.broadcast %get3A_38 : vector<1x16xf32> to vector<10000x16xf32>
    %add3A_40 = arith.addf %add3A_35, %add3A_39 : vector<10000x16xf32>
    %max3A = arith.constant 0.000000e+00 : f32
    %max3A_41 = vector.broadcast %max3A : f32 to vector<10000x16xf32>
    %max3A_42 = arith.maximumf %add3A_40, %max3A_41 : vector<10000x16xf32>
    %swap3A = arith.constant 0 : index
    %swap3A_43 = arith.constant 0 : index
    %swap3A_44 = vector.load %arg5[%swap3A, %swap3A_43] : memref<10240x16xf32, #tpu.memory_space<vmem>>, vector<10000x16xf32>
    tpu.vector_store %arg5[%swap3A, %swap3A_43], %max3A_42 {strides = array<i32>} : memref<10240x16xf32, #tpu.memory_space<vmem>>, vector<10000x16xf32>,
    %broadcast_in_dim3A = arith.constant 0.000000e+00 : f32
    %broadcast_in_dim3A_45 = vector.broadcast %broadcast_in_dim3A : f32 to vector<240x16xf32>
    %swap3A_46 = arith.constant 10000 : index
    %swap3A_47 = arith.constant 0 : index
    %swap3A_48 = vector.load %arg5[%swap3A_46, %swap3A_47] : memref<10240x16xf32, #tpu.memory_space<vmem>>, vector<240x16xf32>
    tpu.vector_store %arg5[%swap3A_46, %swap3A_47], %broadcast_in_dim3A_45 {strides = array<i32>} : memref<10240x16xf32, #tpu.memory_space<vmem>>, vector<240x16xf32>,
    return
  }
}

module attributes {stable_mosaic.version = 14 : i64} {
  func.func @_att_body(%arg0: memref<2x10000x16xf32, #tpu.memory_space<vmem>>, %arg1: memref<16x128xf32, #tpu.memory_space<vmem>>, %arg2: memref<1x128xf32, #tpu.memory_space<vmem>>, %arg3: memref<1x128xf32, #tpu.memory_space<vmem>>, %arg4: memref<10000x16xf32, #tpu.memory_space<vmem>>) attributes {dimension_semantics = [], scalar_prefetch = 0 : i64, scratch_operands = 0 : i64, tpu.core_type = #tpu.core_type<tc>} {
    %get3A = arith.constant 0 : index
    %get3A_0 = arith.constant 0 : index
    %get3A_1 = arith.constant 0 : index
    %get3A_2 = vector.load %arg0[%get3A, %get3A_0, %get3A_1] : memref<2x10000x16xf32, #tpu.memory_space<vmem>>, vector<1x10000x16xf32>
    %get3A_3 = vector.shape_cast %get3A_2 : vector<1x10000x16xf32> to vector<10000x16xf32>
    %get3A_4 = arith.constant 1 : index
    %get3A_5 = arith.constant 0 : index
    %get3A_6 = arith.constant 0 : index
    %get3A_7 = vector.load %arg0[%get3A_4, %get3A_5, %get3A_6] : memref<2x10000x16xf32, #tpu.memory_space<vmem>>, vector<1x10000x16xf32>
    %get3A_8 = vector.shape_cast %get3A_7 : vector<1x10000x16xf32> to vector<10000x16xf32>
    %get3A_9 = arith.constant 0 : index
    %get3A_10 = arith.constant 0 : index
    %get3A_11 = vector.load %arg1[%get3A_9, %get3A_10] : memref<16x128xf32, #tpu.memory_space<vmem>>, vector<16x128xf32>
    %dot_general3A = arith.constant dense<0.000000e+00> : vector<10000x128xf32>
    %dot_general3A_12 = tpu.matmul %get3A_3, %get3A_11, %dot_general3A {dimension_numbers = #tpu.dot_dimension_numbers<[1], [0], [0], [1], [0, 0, 1, 1], [], []>, transpose_lhs_hint = false} : vector<10000x16xf32>, vector<16x128xf32>, vector<10000x128xf32> -> vector<10000x128xf32>
    %get3A_13 = arith.constant 0 : index
    %get3A_14 = arith.constant 0 : index
    %get3A_15 = vector.load %arg2[%get3A_13, %get3A_14] : memref<1x128xf32, #tpu.memory_space<vmem>>, vector<1x128xf32>
    %add3A = vector.broadcast %get3A_15 : vector<1x128xf32> to vector<10000x128xf32>
    %add3A_16 = arith.addf %dot_general3A_12, %add3A : vector<10000x128xf32>
    %tanh3A = math.tanh %add3A_16 : vector<10000x128xf32>
    %get3A_17 = arith.constant 0 : index
    %get3A_18 = arith.constant 0 : index
    %get3A_19 = vector.load %arg1[%get3A_17, %get3A_18] : memref<16x128xf32, #tpu.memory_space<vmem>>, vector<16x128xf32>
    %dot_general3A_20 = arith.constant dense<0.000000e+00> : vector<10000x128xf32>
    %dot_general3A_21 = tpu.matmul %get3A_8, %get3A_19, %dot_general3A_20 {dimension_numbers = #tpu.dot_dimension_numbers<[1], [0], [0], [1], [0, 0, 1, 1], [], []>, transpose_lhs_hint = false} : vector<10000x16xf32>, vector<16x128xf32>, vector<10000x128xf32> -> vector<10000x128xf32>
    %get3A_22 = arith.constant 0 : index
    %get3A_23 = arith.constant 0 : index
    %get3A_24 = vector.load %arg2[%get3A_22, %get3A_23] : memref<1x128xf32, #tpu.memory_space<vmem>>, vector<1x128xf32>
    %add3A_25 = vector.broadcast %get3A_24 : vector<1x128xf32> to vector<10000x128xf32>
    %add3A_26 = arith.addf %dot_general3A_21, %add3A_25 : vector<10000x128xf32>
    %tanh3A_27 = math.tanh %add3A_26 : vector<10000x128xf32>
    %get3A_28 = arith.constant 0 : index
    %get3A_29 = arith.constant 0 : index
    %get3A_30 = vector.load %arg3[%get3A_28, %get3A_29] : memref<1x128xf32, #tpu.memory_space<vmem>>, vector<1x128xf32>
    %mul3A = vector.broadcast %get3A_30 : vector<1x128xf32> to vector<10000x128xf32>
    %mul3A_31 = arith.mulf %tanh3A, %mul3A : vector<10000x128xf32>
    %reduce_sum3A = vector.shape_cast %mul3A_31 : vector<10000x128xf32> to vector<1x10000x128xf32>
    %reduce_sum3A_32 = arith.constant dense<0.000000e+00> : vector<1xf32>
    %reduce_sum3A_33 = vector.multi_reduction <add>, %reduce_sum3A, %reduce_sum3A_32 [1, 2] : vector<1x10000x128xf32> to vector<1xf32>
    %reduce_sum3A_34 = vector.shape_cast %reduce_sum3A_33 : vector<1xf32> to vector<1x1x1xf32>
    %reduce_sum3A_35 = vector.extract %reduce_sum3A_34[0, 0, 0] : f32 from vector<1x1x1xf32>
    %div3A = arith.constant 1.000000e+04 : f32
    %div3A_36 = arith.divf %reduce_sum3A_35, %div3A : f32
    %get3A_37 = arith.constant 0 : index
    %get3A_38 = arith.constant 0 : index
    %get3A_39 = vector.load %arg3[%get3A_37, %get3A_38] : memref<1x128xf32, #tpu.memory_space<vmem>>, vector<1x128xf32>
    %mul3A_40 = vector.broadcast %get3A_39 : vector<1x128xf32> to vector<10000x128xf32>
    %mul3A_41 = arith.mulf %tanh3A_27, %mul3A_40 : vector<10000x128xf32>
    %reduce_sum3A_42 = vector.shape_cast %mul3A_41 : vector<10000x128xf32> to vector<1x10000x128xf32>
    %reduce_sum3A_43 = arith.constant dense<0.000000e+00> : vector<1xf32>
    %reduce_sum3A_44 = vector.multi_reduction <add>, %reduce_sum3A_42, %reduce_sum3A_43 [1, 2] : vector<1x10000x128xf32> to vector<1xf32>
    %reduce_sum3A_45 = vector.shape_cast %reduce_sum3A_44 : vector<1xf32> to vector<1x1x1xf32>
    %reduce_sum3A_46 = vector.extract %reduce_sum3A_45[0, 0, 0] : f32 from vector<1x1x1xf32>
    %div3A_47 = arith.constant 1.000000e+04 : f32
    %div3A_48 = arith.divf %reduce_sum3A_46, %div3A_47 : f32
    %max3A = arith.maximumf %div3A_36, %div3A_48 : f32
    %sub3A = arith.subf %div3A_36, %max3A : f32
    %exp3A = math.exp %sub3A : f32
    %sub3A_49 = arith.subf %div3A_48, %max3A : f32
    %exp3A_50 = math.exp %sub3A_49 : f32
    %add3A_51 = arith.addf %exp3A, %exp3A_50 : f32
    %div3A_52 = arith.constant 1.000000e+00 : f32
    %div3A_53 = arith.divf %div3A_52, %add3A_51 : f32
    %mul3A_54 = arith.mulf %exp3A, %div3A_53 : f32
    %mul3A_55 = vector.broadcast %mul3A_54 : f32 to vector<10000x16xf32>
    %mul3A_56 = arith.mulf %mul3A_55, %get3A_3 : vector<10000x16xf32>
    %mul3A_57 = arith.mulf %exp3A_50, %div3A_53 : f32
    %mul3A_58 = vector.broadcast %mul3A_57 : f32 to vector<10000x16xf32>
    %mul3A_59 = arith.mulf %mul3A_58, %get3A_8 : vector<10000x16xf32>
    %add3A_60 = arith.addf %mul3A_56, %mul3A_59 : vector<10000x16xf32>
    %swap3A = arith.constant 0 : index
    %swap3A_61 = arith.constant 0 : index
    %swap3A_62 = vector.load %arg4[%swap3A, %swap3A_61] : memref<10000x16xf32, #tpu.memory_space<vmem>>, vector<10000x16xf32>
    tpu.vector_store %arg4[%swap3A, %swap3A_61], %add3A_60 {strides = array<i32>} : memref<10000x16xf32, #tpu.memory_space<vmem>>, vector<10000x16xf32>,
    return
  }
}

</mosaic_0001>

<sc_bundles>
// kernel: kernel.5.cloned.1.call-start
scs
__scs_entry_jumppad:
0x0: {  	(pc) =	sbr.rel $0x88, $3  }
0x1: {  	(tag) =	ssettag $0x0;
	lr =	simm.s32 $0x1  }
0x2: {  	[smem:$0x3F98] =	sst lr;
	_ =	strace $0xD0000000  }
0x3: {  	_ = 	snop  }
0x4: {  	_ = 	snop  }
0x5: {  	_ = 	snop  }
0x6: {  	_ = 	snop  }
0x7: {  	_ = 	snop  }
__scs_overlays_trampoline_lowered:
0x8: {  	[smem:$0x3FA7] =	sst s0  }
0x9: {  	[smem:$0x3FA8] =	sst s1  }
0xa: {  	[smem:$0x3FA9] =	sst s2  }
0xb: {  	[smem:$0x3FAA] =	sst s3  }
0xc: {  	[smem:$0x3FAB] =	sst s4  }
0xd: {  	[smem:$0x3FAC] =	sst s5  }
0xe: {  	[smem:$0x3FAD] =	sst s6  }
0xf: {  	[smem:$0x3FAE] =	sst s7  }
0x10: {  	[smem:$0x3FAF] =	sst s8  }
0x11: {  	[smem:$0x3FB0] =	sst s9;
	s0 =	simm.s32 @!p0 $0x0  }
0x12: {  	s1 =	sld [smem:$0x3F96];
	s0 =	simm.s32 @p0 $0x1  }
0x13: {  	[smem:$0x3FB1] =	sst s0;
	s0 =	simm.s32 @!p1 $0x0  }
0x14: {  	s2 =	sld [smem:$0x3F95];
	s0 =	simm.s32 @p1 $0x1  }
0x15: {  	[smem:$0x3FB2] =	sst s0;
	s0 =	simm.s32 @!p2 $0x0  }
0x16: {  	s3 =	sld [smem:$0x3FDB];
	s0 =	simm.s32 @p2 $0x1  }
0x17: {  	s4 =	simm.s32 $0x1BF5;
	[smem:$0x3FB4] =	sst s0  }
0x18: {  	s0 =	sld [smem:$0x3F97];
	_ =	swait.ge [sflag:s4], $0x0  }
0x19: {  	s7 =	sld [smem:$0x3F98]  }
0x1a: {  	s8 =	sadd.s32 $0xFFFFE003, lr  }
0x1b: {  	s9 =	sadd.s32 $0xFFFFFEF7, lr;
	s5 =	simm.s32 $0xFFFFFFFF;
	p2 =	slt.u32 s8, $0xFFFFF086  }
0x1c: {  	p1 =	slt.u32 s9, $0xF7A;
	s5 =	simm.s32 @!p2 $0x0  }
0x1d: {  	s5 =	simm.s32 @p1 $0x1;
	p0 =	seq.s32 s7, s2  }
0x1e: {  	s7 =	smul.u32 @!p0 $0xF7A, s2;
	p2 =	seq.s32 @!p0 s5, $0x0  }
0x1f: {  	s9 =	smul.u32 $0xF7A, s1;
	s8 =	simm.s32 @!p0 $0x1BF5;
	p2 =	por !p2, p0  }
0x20: {  	[sflag:s8] =	ssyncset.s32 @!p0 $0xFFFFF086;
	s6 =	sadd.s32 @!p0 s3, s7;
	s7 =	simm.s32 @!p0 $0x108  }
0x21: {  	s3 =	sadd.s32 s3, s9;
	s6 =	sadd.s32 @!p0 $0x88, s6;
	s7 =	simm.s32 @p2 $0x1082  }
0x22: {  	[simem:s7], [sflag:s8] =	dma.local @!p0 [hbm:s6], $0xF7A  }
0x23: {  	s9 =	sor.u32 $0xD0000000, s2;
	s6 =	simm.s32 $0x108;
	_ =	swait.ge @!p0 [sflag:s8], $0x0  }
0x24: {  	s3 =	sadd.s32 $0x88, s3;
	s6 =	simm.s32 @!p1 $0x1082;
	[sflag:s4] =	ssyncset.s32 $0xFFFFF086  }
0x25: {  	[simem:s6], [sflag:s4] =	dma.local [hbm:s3], $0xF7A  }
0x26: {  	[smem:$0x3F98] =	sst s1;
	(tag) =	ssettag s2;
	_ =	strace s9  }
0x27: {  	s1 =	sld [smem:$0x3FA8]  }
0x28: {  	s2 =	sld [smem:$0x3FA9]  }
0x29: {  	s4 =	sld [smem:$0x3FAB]  }
0x2a: {  	p0 =	seq.s32 s5, $0x0;
	s5 =	sld [smem:$0x3FAC]  }
0x2b: {  	s6 =	sld [smem:$0x3FAD]  }
0x2c: {  	s7 =	sld [smem:$0x3FAE]  }
0x2d: {  	s3 =	simm.s32 $0x108;
	s8 =	sld [smem:$0x3FAF]  }
0x2e: {  	s3 =	simm.s32 @!p0 $0x1082;
	s9 =	sld [smem:$0x3FB0]  }
0x2f: {  	lr =	sadd.s32 s0, s3;
	s0 =	sld [smem:$0x3FA7]  }
0x30: {  	s3 =	sld [smem:$0x3FAA]  }
0x31: {  	[smem:$0x3FB3] =	sst s10  }
0x32: {  	s10 =	sld [smem:$0x3FB1];
	_ =	sdelay $0x3  }
0x33: {  	p0 =	seq.s32 s10, $0x1;
	s10 =	sld [smem:$0x3FB3];
	_ =	sdelay $0x3  }
0x34: {  	[smem:$0x3FB3] =	sst s10  }
0x35: {  	s10 =	sld [smem:$0x3FB2];
	_ =	sdelay $0x3  }
0x36: {  	p1 =	seq.s32 s10, $0x1;
	s10 =	sld [smem:$0x3FB3];
	_ =	sdelay $0x3  }
0x37: {  	[smem:$0x3FB3] =	sst s10  }
0x38: {  	s10 =	sld [smem:$0x3FB4]  }
0x39: {  	_ = 	snop;
	(pc) =	sbr.ind lr, $3  }
0x3a: {  	_ = 	snop  }
0x3b: {  	_ = 	snop  }
0x3c: {  	p2 =	seq.s32 s10, $0x1;
	s10 =	sld [smem:$0x3FB3]  }
0x3d: {  	_ =	shalt  }
0x3e: {  	_ =	shalt  }
0x3f: {  	_ =	shalt  }
0x40: {  	_ =	shalt  }
0x41: {  	_ =	shalt  }
0x42: {  	_ =	shalt  }
0x43: {  	_ =	shalt  }
0x44: {  	_ =	shalt  }
0x45: {  	_ =	shalt  }
0x46: {  	_ =	shalt  }
0x47: {  	_ =	shalt  }
0x48: {  	_ =	shalt  }
0x49: {  	_ =	shalt  }
0x4a: {  	_ =	shalt  }
0x4b: {  	_ =	shalt  }
0x4c: {  	_ =	shalt  }
0x4d: {  	_ =	shalt  }
0x4e: {  	_ =	shalt  }
0x4f: {  	_ =	shalt  }
0x50: {  	_ =	shalt  }
0x51: {  	_ =	shalt  }
0x52: {  	_ =	shalt  }
0x53: {  	_ =	shalt  }
0x54: {  	_ =	shalt  }
0x55: {  	_ =	shalt  }
0x56: {  	_ =	shalt  }
0x57: {  	_ =	shalt  }
0x58: {  	_ =	shalt  }
0x59: {  	_ =	shalt  }
0x5a: {  	_ =	shalt  }
0x5b: {  	_ =	shalt  }
0x5c: {  	_ =	shalt  }
0x5d: {  	_ =	shalt  }
0x5e: {  	_ =	shalt  }
0x5f: {  	_ =	shalt  }
0x60: {  	_ =	shalt  }
0x61: {  	_ =	shalt  }
0x62: {  	_ =	shalt  }
0x63: {  	_ =	shalt  }
0x64: {  	_ =	shalt  }
0x65: {  	_ =	shalt  }
0x66: {  	_ =	shalt  }
0x67: {  	_ =	shalt  }
0x68: {  	_ =	shalt  }
0x69: {  	_ =	shalt  }
0x6a: {  	_ =	shalt  }
0x6b: {  	_ =	shalt  }
0x6c: {  	_ =	shalt  }
0x6d: {  	_ =	shalt  }
0x6e: {  	_ =	shalt  }
0x6f: {  	_ =	shalt  }
0x70: {  	_ =	shalt  }
0x71: {  	_ =	shalt  }
0x72: {  	_ =	shalt  }
0x73: {  	_ =	shalt  }
0x74: {  	_ =	shalt  }
0x75: {  	_ =	shalt  }
0x76: {  	_ =	shalt  }
0x77: {  	_ =	shalt  }
0x78: {  	_ =	shalt  }
0x79: {  	_ =	shalt  }
0x7a: {  	_ =	shalt  }
0x7b: {  	_ =	shalt  }
0x7c: {  	_ =	shalt  }
0x7d: {  	_ =	shalt  }
0x7e: {  	_ =	shalt  }
0x7f: {  	_ =	shalt  }
0x80: {  	_ =	shalt  }
0x81: {  	_ =	shalt  }
0x82: {  	_ =	shalt  }
0x83: {  	_ =	shalt  }
0x84: {  	_ =	shalt  }
0x85: {  	_ =	shalt  }
0x86: {  	_ =	shalt  }
0x87: {  	_ =	shalt  }
.Lfunc_end0:
.L_simem_size_0:
called_computation_lowered:
.L_overlay_start_0:
0x88: {  	s2 =	sld [smem:$0x3FD9]  }
0x89: {  	s3 =	sld [smem:$0x3FFE];
	_ =	sdelay $0x1  }
0x8a: {  	s1 =	srdreg.scid  }
0x8b: {  	s0 =	sand.u32 $0x1, s1  }
0x8c: {  	s16 =	sshll.u32 s0, $0xA;
	s2 =	sadd.s32 s3, s2  }
0x8d: {  	s2 =	sadd.s32 s2, s16  }
0x8e: {  	[smem:$0x3FBF] =	sst s2  }
0x8f: {  	_ = 	snop  }
0x90: {  	(tm) =	ssettm $0x1  }
0x91: {  	s17 =	sld [smem:$0x3FFB];
	_ =	sdelay $0x3  }
0x92: {  	_ =	strace s17  }
0x93: {  	s2 =	sld [smem:$0x3FFC];
	_ =	sdelay $0x3  }
0x94: {  	_ =	strace s2  }
0x95: {  	s2 =	sld [smem:$0x3FFD];
	_ =	sdelay $0x3  }
0x96: {  	_ =	strace s2  }
0x97: {  	_ =	strace $0x8FFFFFFF  }
0x98: {  	s18 =	sld [smem:$0x3FDB];
	_ =	sdelay $0x1  }
0x99: {  	s19 =	simm.s32 $_scs_section_size  }
0x9a: {  	s4 =	simm.s32 $_size__tile_overlayer_lowered;
	s5 =	simm.s32 $_tile_overlayer_lowered  }
0x9b: {  	s22 =	simm.s32 $0x1BFF;
	s21 =	sshll.u32 s5, $0x1;
	s2 =	sadd.s32 s19, s18  }
0x9c: {  	s6 =	simm.s32 $0x0;
	s20 =	sshll.u32 s4, $0x1;
	s4 =	sadd.s32 s21, s2  }
0x9d: {  	[timem:s6], [sflag:s22] =	dma.local [hbm:s4], s20  }
0x9e: {  	_ =	swait.ge [sflag:s22], s20  }
0x9f: {  	s3 =	ssub.s32 $0x0, s20;
	[sflag:s22] =	ssyncset.done $0x0  }
0xa0: {  	[sflag:s22] =	ssyncadd.s32 s3;
	_ =	sdelay $0x1  }
0xa1: {  	s23 =	simm.s32 $0x1B8B  }
0xa2: {  	_ =	swait.ge [sflag:s23], $0x1  }
0xa3: {  	[sflag:s23] =	ssyncset.done $0x0  }
0xa4: {  	s25 =	simm.s32 $0x1B8E;
	s24 =	sld [smem:$0x3FFE];
	[sflag:s23] =	ssyncadd.s32 $0xFFFFFFFF  }
0xa5: {  	s26 =	simm.s32 $execute0_lowered;
	[smem:$0x3FD2] =	sst s25  }
0xa6: {  	s4 =	sshll.u32 s26, $0x1;
	_ =	strace $0x80000046;
	[dreg:$0x1] =	wrdreg $0xFFFFFFFF  }
0xa7: {  	s28 =	simm.s32 $_size_execute0_lowered;
	s2 =	sadd.s32 s2, s4;
	[dreg:$0x0] =	wrdreg $0x0  }
0xa8: {  	s4 =	sshll.u32 s28, $0x1;
	[dreg:$0x2] =	wrdreg s2  }
0xa9: {  	[dreg:$0x3] =	wrdreg s4  }
0xaa: {  	[dreg:$0x4] =	wrdreg $0xC0  }
0xab: {  	_ =	task [dreg:s6], $0x5FFFF  }
0xac: {  	[dreg:$0x1] =	wrdreg $0xFFFFFFFF  }
0xad: {  	[dreg:$0x0] =	wrdreg $0x60  }
0xae: {  	[dreg:$0x2] =	wrdreg s24  }
0xaf: {  	[dreg:$0x3] =	wrdreg $0x168000  }
0xb0: {  	[dreg:$0x4] =	wrdreg $0x190080  }
0xb1: {  	[dreg:$0x5] =	wrdreg $0x1B8100  }
0xb2: {  	[dreg:$0x6] =	wrdreg $0x9  }
0xb3: {  	_ =	task.clear_ibuf [dreg:s6], $0x7FFFF;
	_ =	strace $0x90000046  }
0xb4: {  	s29 =	simm.s32 $0x9;
	_ =	strace $0x80000048  }
0xb5: {  	_ =	swait.ge [sflag:s29], $0x1  }
0xb6: {  	[sflag:s29] =	ssyncadd.s32 $0xFFFFFFFF  }
0xb7: {  	_ =	strace $0x90000048  }
0xb8: {  	_ =	sfence  }
0xb9: {  	s30 =	sld [smem:$0x0];
	_ =	sdelay $0x2  }
0xba: {  	s31 =	sshll.u32 s1, $0xD;
	s1 =	sshrl.u32 s1, $0x2  }
0xbb: {  	s3 =	sand.u32 $0x4000, s31;
	s1 =	sadd.s32 s1, s30  }
0xbc: {  	s0 =	sor.u32 s3, s0;
	s1 =	sshll.u32 s1, $0x11  }
0xbd: {  	s0 =	sor.u32 s1, s0  }
0xbe: {  	s0 =	sadd.s32 $0x8F2B, s0  }
0xbf: {  	[sflag:s0] =	ssyncadd.remote.s32 $0x1  }
0xc0: {  	_ =	sfence.sel $0xFFFF  }
0xc1: {  	[dreg:$0x0] =	wrdreg $0xFFFFFFFF;
	(pc) =	sbr.abs _section_cstart, $3  }
0xc2: {  	[dreg:$0x1] =	wrdreg $0xFFFFFFFF  }
0xc3: {  	_ =	task.clear_ibuf [dreg:s6], $0x2FFFF;
	_ =	strace $0x9FFFFFFF  }
0xc4: {  	(tm) =	ssettm $0x7FFFFFFF  }
0xc5: {  	_ =	shalt  }
tec
execute0_lowered:
.L_overlay_start_1:
0x0: {  	(tag) =	ssettag $0x1  }
0x1: {  	s0 =	rddreg [dreg:$0x0]  }
0x2: {  	s1 =	rddreg [dreg:$0x1];
	s11 =	stileid.u32  }
0x3: {  	s2 =	srdreg.scid;
	s3 =	rddreg [dreg:$0x2]  }
0x4: {  	s4 =	rddreg [dreg:$0x3];
	s19 =	simm.s32 $0x0;
	s14 =	simm.s32 $0xA  }
0x5: {  	s15 =	simm.s32 $0x5000;
	s29 =	simm.s32 $0xB800;
	s30 =	simm.s32 $0x2  }
0x6: {  	s16 =	simm.s32 $0x3;
	s13 =	simm.s32 $0x4;
	s18 =	simm.s32 $0x7  }
0x7: {  	s28 =	simm.s32 $0x9;
	s12 =	simm.s32 $0x0;
	s5 =	smul.u32 $0x2800, s11  }
0x8: {  	s17 =	simm.s32 $0x5180;
	s2 =	sand.u32 $0x1, s2;
	s7 =	smul.u32 $0x5000, s11  }
0x9: {  	[smem:$0x7FF] =	sst s19;
	s26 =	sshll.u32 s11, $0x6;
	s6 =	smul.u32 $0x50000, s2  }
0xa: {  	s8 =	smul.u32 $0x28000, s2;
	_ =	strace $0x80000047;
	s2 =	ssub.s32 $0x2, s2  }
0xb: {  	s9 =	sshrl.u32 s5, $0x3;
	s21 =	sshrl.u32 s2, $0x1;
	s24 =	sadd.s32 s5, s1  }
0xc: {  	s10 =	sadd.s32 s5, s3;
	s9 =	sadd.s32 s9, s0;
	s6 =	sadd.s32 s7, s6  }
0xd: {  	s20 =	sadd.s32 s5, s8;
	s2 =	ssub.s32 s2, s21;
	s5 =	sadd.s32 s5, s4  }
0xe: {  	[dreg:$0x8] =	wrdreg s24;
	s31 =	sshrl.u32 s24, $0x3;
	s21 =	simm.s32 $0xA000  }
0xf: {  	s24 =	simm.s32 $0xB000;
	s6 =	sshrl.u32 s6, $0x3;
	s7 =	sshrl.u32 s20, $0x3  }
0x10: {  	s23 =	sadd.s32 $0x1200, s9;
	[dreg:$0x9] =	wrdreg s5;
	s25 =	smax.u32 s2, $0x1  }
0x11: {  	[dreg:$0xd] =	wrdreg s31;
	s20 =	simm.s32 $0x80;
	s2 =	simm.s32 $0x5  }
0x12: {  	s6 =	sadd.s32 s6, s0;
	s0 =	sadd.s32 s7, s0;
	[dreg:$0x7] =	wrdreg s23  }
0x13: {  	[dreg:$0xb] =	wrdreg s25;
	s25 =	simm.s32 $0x1;
	s22 =	sadd.s32 $0x6200, s6  }
0x14: {  	s7 =	simm.s32 $0x6;
	s6 =	sadd.s32 $0x1A200, s6;
	[dreg:$0x5] =	wrdreg s22  }
0x15: {  	s23 =	simm.s32 $0x8;
	s0 =	sadd.s32 $0x2E200, s0;
	[dreg:$0x6] =	wrdreg s6  }
0x16: {  	[dreg:$0xa] =	wrdreg s0;
	s0 =	sor.u32 $0x1C0A, s26;
	s22 =	simm.s32 $0xA800  }
0x17: {  	v0 =	vimm.f32 $1.000000000e+00;
	v1 =	vimm.f32 $0.0e+00;
	s26 =	simm.s32 $0xC000;
	[dreg:$0xc] =	wrdreg s0;
	s0 =	simm.s32 $0xC800  }
.LBB2_1:
0x18: {  	s5 =	rddreg [dreg:$0x5]  }
0x19: {  	[tilespmem:s19], [sflag:$0xA] =	stream.linear.gather [hbm4b:s5+s19], $0x5000, $0x38;
	[tilespmem:$0x1E018] =	vst v63  }
0x1a: {  	_ =	swait.ge [sflag:s14], $0x5000  }
0x1b: {  	[sflag:s14] =	ssyncset.done $0x0  }
0x1c: {  	s31 =	rddreg [dreg:$0x6];
	[sflag:s14] =	ssyncadd.s32 $0xFFFFB000  }
0x1d: {  	[tilespmem:s15], [sflag:$0xA] =	stream.linear.gather [hbm4b:s31+s19], $0x5000, $0x38;
	[tilespmem:$0x1E018] =	vst v63  }
0x1e: {  	_ =	swait.ge [sflag:s14], $0x5000  }
0x1f: {  	[sflag:s14] =	ssyncset.done $0x0  }
0x20: {  	s5 =	simm.s32 $0x0;
	[sflag:s14] =	ssyncadd.s32 $0xFFFFB000  }
.LBB2_2:
0x21: {  	p0 =	sne.s32 s5, $0x1FC0  }
.Ltmp0:
0x22: {  	_ = 	snop;
	(pc) =	sbr.rel @p0 .LBB2_2-.Ltmp0, $3  }
0x23: {  	_ =	sdelay $0x1  }
0x24: {  	s8 =	sshra.s32 s5, $0x2  }
0x25: {  	s5 =	sadd.s32 $0x40, s5;
	[tilespmem:s8+$0xC000] =	vst v0  }
0x26: {  	s5 =	simm.s32 $0x40;
	s8 =	simm.s32 $0x0  }
.LBB2_4:
0x27: {  	p0 =	sne.s32 s5, $0x9FC0;
	[tilespmem:s8+$0x14000] =	vst v1;
	s8 =	smov.u32 s5;
	s5 =	sadd.s32 $0x40, s5  }
.Ltmp1:
0x28: {  	(pc) =	sbr.rel @p0 .LBB2_4-.Ltmp1, $2  }
0x29: {  	_ =	sdelay $0x2  }
0x2a: {  	s8 =	sshra.s32 s8, $0x2  }
0x2b: {  	[tilespmem:s8+$0x14000] =	vst v1;
	s5 =	simm.s32 $0x0;
	s31 =	rddreg [dreg:$0x7];
	s9 =	simm.s32 $0x11800  }
0x2c: {  	[tilespmem:s9], [sflag:$0xA] =	stream.linear.gather [hbm4b:s31+s5], $0x2800, $0x38;
	[tilespmem:$0x1E018] =	vst v63  }
0x2d: {  	_ =	swait.ge [sflag:s14], $0x2800  }
0x2e: {  	[sflag:s14] =	ssyncset.done $0x0;
	s6 =	rddreg [dreg:$0xc]  }
0x2f: {  	s11 =	rddreg [dreg:$0xd];
	[sflag:s14] =	ssyncadd.s32 $0xFFFFD800  }
0x30: {  	[spmem:s11], [sflag:s6] =	dma.local [hbm:s31], $0x500  }
0x31: {  	_ =	swait.ge [sflag:s14], $0x500  }
0x32: {  	[sflag:s14] =	ssyncset.done $0x0  }
0x33: {  	s19 =	simm.s32 $0x14000;
	[sflag:s14] =	ssyncadd.s32 $0xFFFFFB00  }
0x34: {  	[spmem:s10] =	stream.linear.scatter [tilespmem:s19], [sflag:$0xA], $0x2800, $0x38;
	[tilespmem:$0x1E018] =	vst v63  }
0x35: {  	_ =	swait.ge [sflag:s14], $0x2800  }
0x36: {  	[sflag:s14] =	ssyncset.done $0x0  }
0x37: {  	s31 =	rddreg [dreg:$0x9];
	[sflag:s14] =	ssyncadd.s32 $0xFFFFD800  }
0x38: {  	[spmem:s31] =	stream.linear.scatter [tilespmem:s19], [sflag:$0xA], $0x2800, $0x38;
	[tilespmem:$0x1E018] =	vst v63  }
0x39: {  	_ =	swait.ge [sflag:s14], $0x2800  }
0x3a: {  	[sflag:s14] =	ssyncset.done $0x0  }
0x3b: {  	[sflag:s14] =	ssyncadd.s32 $0xFFFFD800  }
0x3c: {  	[bflag:$0x0] =	sbarrier.arrive $0xFFFF  }
0x3d: {  	[tilespmem:s21], [sflag:$0x1] =	stream.indirect.gather [spmem:s1], $0x10, s5, s20, $0xb8;
	[tilespmem:$0x1E018] =	vst v63  }
0x3e: {  	_ = 	snop  }
0x3f: {  	[tilespmem:s22], [sflag:$0x2] =	stream.indirect.gather [spmem:s1], $0x10, s20, s20, $0xb8;
	[tilespmem:$0x1E018] =	vst v63  }
0x40: {  	s9 =	simm.s32 $0x100  }
0x41: {  	[tilespmem:s24], [sflag:$0x3] =	stream.indirect.gather [spmem:s1], $0x10, s9, s20, $0xb8;
	[tilespmem:$0x1E018] =	vst v63  }
0x42: {  	_ =	swait.ge [sflag:s25], $0x800  }
0x43: {  	[sflag:s25] =	ssyncset.done $0x0  }
0x44: {  	[sflag:s25] =	ssyncadd.s32 $0xFFFFF800  }
0x45: {  	[spmem:s3] =	stream.indirect.scatter.add.f32 [tilespmem:s21], [sflag:$0x5], $0x10, s15, s20, $0xb8;
	[tilespmem:$0x1E018] =	vst v63  }
0x46: {  	_ = 	snop  }
0x47: {  	[spmem:s4] =	stream.indirect.scatter.add.f32 [tilespmem:s26], [sflag:$0x9], $0x10, s15, s20, $0xb8;
	[tilespmem:$0x1E018] =	vst v63  }
0x48: {  	s11 =	simm.s32 $0x180  }
0x49: {  	[tilespmem:s29], [sflag:$0x4] =	stream.indirect.gather [spmem:s1], $0x10, s11, s20, $0xb8;
	[tilespmem:$0x1E018] =	vst v63  }
0x4a: {  	_ =	swait.ge [sflag:s30], $0x800  }
0x4b: {  	[sflag:s30] =	ssyncset.done $0x0  }
0x4c: {  	s19 =	simm.s32 $0x5080;
	[sflag:s30] =	ssyncadd.s32 $0xFFFFF800  }
0x4d: {  	[spmem:s3] =	stream.indirect.scatter.add.f32 [tilespmem:s22], [sflag:$0x6], $0x10, s19, s20, $0xb8;
	[tilespmem:$0x1E018] =	vst v63  }
0x4e: {  	_ = 	snop  }
0x4f: {  	[spmem:s4] =	stream.indirect.scatter.add.f32 [tilespmem:s26], [sflag:$0x9], $0x10, s19, s20, $0xb8;
	[tilespmem:$0x1E018] =	vst v63  }
0x50: {  	_ =	swait.ge [sflag:s2], $0x800  }
0x51: {  	[sflag:s2] =	ssyncset.done $0x0  }
0x52: {  	s31 =	simm.s32 $0x200;
	[sflag:s2] =	ssyncadd.s32 $0xFFFFF800  }
0x53: {  	[tilespmem:s21], [sflag:$0x1] =	stream.indirect.gather [spmem:s1], $0x10, s31, s20, $0xb8;
	[tilespmem:$0x1E018] =	vst v63  }
0x54: {  	_ =	swait.ge [sflag:s16], $0x800  }
0x55: {  	[sflag:s16] =	ssyncset.done $0x0  }
0x56: {  	s9 =	simm.s32 $0x5100;
	[sflag:s16] =	ssyncadd.s32 $0xFFFFF800  }
0x57: {  	[spmem:s3] =	stream.indirect.scatter.add.f32 [tilespmem:s24], [sflag:$0x7], $0x10, s9, s20, $0xb8;
	[tilespmem:$0x1E018] =	vst v63  }
0x58: {  	_ = 	snop  }
0x59: {  	[spmem:s4] =	stream.indirect.scatter.add.f32 [tilespmem:s26], [sflag:$0x9], $0x10, s9, s20, $0xb8;
	[tilespmem:$0x1E018] =	vst v63  }
0x5a: {  	_ =	swait.ge [sflag:s7], $0x800  }
0x5b: {  	[sflag:s7] =	ssyncset.done $0x0  }
0x5c: {  	s11 =	simm.s32 $0x280;
	[sflag:s7] =	ssyncadd.s32 $0xFFFFF800  }
0x5d: {  	[tilespmem:s22], [sflag:$0x2] =	stream.indirect.gather [spmem:s1], $0x10, s11, s20, $0xb8;
	[tilespmem:$0x1E018] =	vst v63  }
0x5e: {  	_ =	swait.ge [sflag:s13], $0x800  }
0x5f: {  	[sflag:s13] =	ssyncset.done $0x0  }
0x60: {  	s19 =	simm.s32 $0x5180;
	[sflag:s13] =	ssyncadd.s32 $0xFFFFF800  }
0x61: {  	[spmem:s3] =	stream.indirect.scatter.add.f32 [tilespmem:s29], [sflag:$0x8], $0x10, s19, s20, $0xb8;
	[tilespmem:$0x1E018] =	vst v63  }
0x62: {  	_ = 	snop  }
0x63: {  	[spmem:s4] =	stream.indirect.scatter.add.f32 [tilespmem:s26], [sflag:$0x9], $0x10, s19, s20, $0xb8;
	[tilespmem:$0x1E018] =	vst v63  }
0x64: {  	_ =	swait.ge [sflag:s18], $0x800  }
0x65: {  	[sflag:s18] =	ssyncset.done $0x0  }
0x66: {  	s6 =	simm.s32 $0x14000;
	s31 =	simm.s32 $0x300;
	[sflag:s18] =	ssyncadd.s32 $0xFFFFF800  }
0x67: {  	[tilespmem:s24], [sflag:$0x3] =	stream.indirect.gather [spmem:s1], $0x10, s31, s20, $0xb8;
	[tilespmem:$0x1E018] =	vst v63  }
.LBB2_6:
0x68: {  	_ =	swait.ge [sflag:s25], $0x800  }
0x69: {  	s8 =	sshra.s32 s5, $0x2;
	[sflag:s25] =	ssyncset.done $0x0  }
0x6a: {  	s11 =	sadd.s32 $0x5200, s8;
	[sflag:s25] =	ssyncadd.s32 $0xFFFFF800  }
0x6b: {  	[spmem:s3] =	stream.indirect.scatter.add.f32 [tilespmem:s21], [sflag:$0x5], $0x10, s11, s20, $0xb8;
	[tilespmem:$0x1E018] =	vst v63  }
0x6c: {  	_ = 	snop  }
0x6d: {  	[spmem:s4] =	stream.indirect.scatter.add.f32 [tilespmem:s26], [sflag:$0x9], $0x10, s11, s20, $0xb8;
	[tilespmem:$0x1E018] =	vst v63  }
0x6e: {  	_ =	swait.ge [sflag:s23], $0x800  }
0x6f: {  	[sflag:s23] =	ssyncset.done $0x0  }
0x70: {  	s9 =	sadd.s32 $0x380, s8;
	[sflag:s23] =	ssyncadd.s32 $0xFFFFF800  }
0x71: {  	[tilespmem:s29], [sflag:$0x4] =	stream.indirect.gather [spmem:s1], $0x10, s9, s20, $0xb8;
	[tilespmem:$0x1E018] =	vst v63  }
0x72: {  	_ =	swait.ge [sflag:s30], $0x800  }
0x73: {  	[sflag:s30] =	ssyncset.done $0x0  }
0x74: {  	p0 =	seq.s32 s5, $0x13000;
	s19 =	sadd.s32 $0x5280, s8;
	[sflag:s30] =	ssyncadd.s32 $0xFFFFF800  }
0x75: {  	[spmem:s3] =	stream.indirect.scatter.add.f32 [tilespmem:s22], [sflag:$0x6], $0x10, s19, s20, $0xb8;
	[tilespmem:$0x1E018] =	vst v63  }
0x76: {  	s11 =	simm.s32 @p0 $0x3  }
0x77: {  	[spmem:s4] =	stream.indirect.scatter.add.f32 [tilespmem:s26], [sflag:$0x9], $0x10, s19, s20, $0xb8;
	[tilespmem:$0x1E018] =	vst v63  }
0x78: {  	_ =	swait.ge @p0 [sflag:s11], $0x800  }
0x79: {  	[sflag:s11] =	ssyncset.done @p0 $0x0  }
0x7a: {  	[sflag:s11] =	ssyncadd.s32 @p0 $0xFFFFF800;
	s11 =	sshra.s32 @p0 s5, $0x2  }
0x7b: {  	s9 =	simm.s32 @p0 $0xB000;
	s19 =	simm.s32 @p0 $0x80;
	s11 =	sadd.s32 @p0 $0x5300, s11  }
0x7c: {  	[spmem:s3] =	stream.indirect.scatter.add.f32 @p0 [tilespmem:s9], [sflag:$0x7], $0x10, s11, s19, $0xb8;
	[tilespmem:$0x1E018] =	vst v63  }
0x7d: {  	s9 =	simm.s32 @p0 $0xC000  }
0x7e: {  	[spmem:s4] =	stream.indirect.scatter.add.f32 @p0 [tilespmem:s9], [sflag:$0x9], $0x10, s11, s19, $0xb8;
	[tilespmem:$0x1E018] =	vst v63  }
0x7f: {  	s9 =	simm.s32 @!p0 $0x5  }
0x80: {  	_ =	swait.ge @!p0 [sflag:s9], $0x800  }
0x81: {  	[sflag:s9] =	ssyncset.done @!p0 $0x0  }
0x82: {  	[sflag:s9] =	ssyncadd.s32 @!p0 $0xFFFFF800;
	s9 =	sshra.s32 @!p0 s5, $0x2  }
0x83: {  	s31 =	simm.s32 @!p0 $0xA000;
	s19 =	simm.s32 @!p0 $0x80;
	s11 =	sadd.s32 @!p0 $0x400, s9  }
0x84: {  	[tilespmem:s31], [sflag:$0x1] =	stream.indirect.gather @!p0 [spmem:s1], $0x10, s11, s19, $0xb8;
	[tilespmem:$0x1E018] =	vst v63  }
0x85: {  	s11 =	simm.s32 @!p0 $0x3  }
0x86: {  	_ =	swait.ge @!p0 [sflag:s11], $0x800  }
0x87: {  	[sflag:s11] =	ssyncset.done @!p0 $0x0  }
0x88: {  	s31 =	simm.s32 @!p0 $0xB000;
	[sflag:s11] =	ssyncadd.s32 @!p0 $0xFFFFF800;
	s11 =	sadd.s32 @!p0 $0x5300, s9  }
0x89: {  	[spmem:s3] =	stream.indirect.scatter.add.f32 @!p0 [tilespmem:s31], [sflag:$0x7], $0x10, s11, s19, $0xb8;
	[tilespmem:$0x1E018] =	vst v63  }
0x8a: {  	s31 =	simm.s32 @!p0 $0xC000  }
0x8b: {  	[spmem:s4] =	stream.indirect.scatter.add.f32 @!p0 [tilespmem:s31], [sflag:$0x9], $0x10, s11, s19, $0xb8;
	[tilespmem:$0x1E018] =	vst v63  }
0x8c: {  	s11 =	simm.s32 @!p0 $0x6  }
0x8d: {  	_ =	swait.ge @!p0 [sflag:s11], $0x800  }
0x8e: {  	[sflag:s11] =	ssyncset.done @!p0 $0x0  }
0x8f: {  	s9 =	sadd.s32 @!p0 $0x480, s9;
	[sflag:s11] =	ssyncadd.s32 @!p0 $0xFFFFF800;
	s11 =	simm.s32 @!p0 $0xA800  }
0x90: {  	[tilespmem:s11], [sflag:$0x2] =	stream.indirect.gather @!p0 [spmem:s1], $0x10, s9, s19, $0xb8;
	[tilespmem:$0x1E018] =	vst v63  }
0x91: {  	_ =	swait.ge [sflag:s13], $0x800  }
.Ltmp2:
0x92: {  	[sflag:s13] =	ssyncset.done $0x0;
	(pc) =	sbr.rel @p0 .LBB2_8-.Ltmp2, $4  }
0x93: {  	s31 =	sadd.s32 $0x5380, s8;
	[sflag:s13] =	ssyncadd.s32 $0xFFFFF800  }
0x94: {  	[spmem:s3] =	stream.indirect.scatter.add.f32 [tilespmem:s29], [sflag:$0x8], $0x10, s31, s20, $0xb8;
	[tilespmem:$0x1E018] =	vst v63  }
0x95: {  	_ = 	snop  }
0x96: {  	[spmem:s4] =	stream.indirect.scatter.add.f32 [tilespmem:s26], [sflag:$0x9], $0x10, s31, s20, $0xb8;
	[tilespmem:$0x1E018] =	vst v63  }
.Ltmp3:
0x97: {  	(pc) =	sbr.rel .LBB2_6-.Ltmp3, $4  }
0x98: {  	_ =	swait.ge [sflag:s18], $0x800  }
0x99: {  	[sflag:s18] =	ssyncset.done $0x0  }
0x9a: {  	s8 =	sadd.s32 $0x500, s8;
	s5 =	sadd.s32 $0x800, s5;
	[sflag:s18] =	ssyncadd.s32 $0xFFFFF800  }
0x9b: {  	[tilespmem:s24], [sflag:$0x3] =	stream.indirect.gather [spmem:s1], $0x10, s8, s20, $0xb8;
	[tilespmem:$0x1E018] =	vst v63  }
.LBB2_8:
0x9c: {  	_ =	swait.ge [sflag:s2], $0x800  }
0x9d: {  	[sflag:s2] =	ssyncset.done $0x0  }
0x9e: {  	[sflag:s2] =	ssyncadd.s32 $0xFFFFF800  }
0x9f: {  	_ =	swait.ge [sflag:s7], $0x800  }
0xa0: {  	[sflag:s7] =	ssyncset.done $0x0  }
0xa1: {  	[sflag:s7] =	ssyncadd.s32 $0xFFFFF800  }
0xa2: {  	_ =	swait.ge [sflag:s18], $0x800  }
0xa3: {  	[sflag:s18] =	ssyncset.done $0x0  }
0xa4: {  	[sflag:s18] =	ssyncadd.s32 $0xFFFFF800  }
0xa5: {  	_ =	swait.ge [sflag:s23], $0x800  }
0xa6: {  	[sflag:s23] =	ssyncset.done $0x0  }
0xa7: {  	[sflag:s23] =	ssyncadd.s32 $0xFFFFF800  }
0xa8: {  	_ =	swait.ge [sflag:s28], $0x800  }
0xa9: {  	s5 =	simm.s32 $0x9F;
	[sflag:s28] =	ssyncset.done $0x0  }
.LBB2_9:
0xaa: {  	p0 =	sne.s32 s5, $0x1;
	s5 =	sadd.s32 $0xFFFFFFFF, s5;
	[sflag:s28] =	ssyncadd.s32 $0xFFFFF800  }
.Ltmp4:
0xab: {  	(pc) =	sbr.rel @p0 .LBB2_9-.Ltmp4, $3  }
0xac: {  	_ =	sdelay $0x1  }
0xad: {  	_ =	swait.ge [sflag:s28], $0x800  }
0xae: {  	[sflag:s28] =	ssyncset.done $0x0  }
0xaf: {  	[sflag:s28] =	ssyncadd.s32 $0xFFFFF800  }
0xb0: {  	[bflag:$0x0] =	sbarrier.arrive $0xFFFF  }
0xb1: {  	s8 =	simm.s32 $0xF000;
	s5 =	rddreg [dreg:$0x9]  }
0xb2: {  	[tilespmem:s8], [sflag:$0xA] =	stream.linear.gather [spmem:s5], $0x2800, $0x38;
	[tilespmem:$0x1E018] =	vst v63  }
0xb3: {  	_ =	swait.ge [sflag:s14], $0x2800  }
0xb4: {  	[sflag:s14] =	ssyncset.done $0x0  }
0xb5: {  	s5 =	simm.s32 $0x0;
	s8 =	simm.s32 $0x40;
	[sflag:s14] =	ssyncadd.s32 $0xFFFFD800  }
.LBB2_11:
0xb6: {  	p0 =	sne.s32 s8, $0x9FC0;
	v2 =	vld [tilespmem:s5+$0xF000];
	_ =	sdelay $0x4  }
0xb7: {  	v2 =	vmax.f32 v2, $1.000000000e+00  }
0xb8: {  	(erf) = vrcp.f32 v2;
	_ =	sdelay $0x7  }
.Ltmp5:
0xb9: {  	(pc) =	sbr.rel @p0 .LBB2_11-.Ltmp5, $3  }
0xba: {  	v2 =	vpop (erf)  }
0xbb: {  	v2 =	vmul.f32 $8.999999760e-01, v2;
	_ =	sdelay $0x1  }
0xbc: {  	[tilespmem:s5+$0xF000] =	vst v2;
	s5 =	sshra.s32 s8, $0x2;
	s8 =	sadd.s32 $0x40, s8  }
0xbd: {  	v2 =	vld [tilespmem:s5+$0xF000];
	_ =	sdelay $0x4  }
0xbe: {  	v2 =	vmax.f32 v2, $1.000000000e+00  }
0xbf: {  	(erf) = vrcp.f32 v2;
	_ =	sdelay $0x8  }
0xc0: {  	v2 =	vpop (erf)  }
0xc1: {  	v2 =	vmul.f32 $8.999999760e-01, v2;
	_ =	sdelay $0x1  }
0xc2: {  	[tilespmem:s5+$0xF000] =	vst v2  }
0xc3: {  	[tilespmem:s0], [sflag:$0xA] =	stream.linear.gather [spmem:s10], $0x2800, $0x38;
	[tilespmem:$0x1E018] =	vst v63  }
0xc4: {  	_ =	swait.ge [sflag:s14], $0x2800  }
0xc5: {  	[sflag:s14] =	ssyncset.done $0x0  }
0xc6: {  	s5 =	simm.s32 $0x0;
	[sflag:s14] =	ssyncadd.s32 $0xFFFFD800  }
0xc7: {  	v2 =	vld [tilespmem:s5+$0xF000]  }
0xc8: {  	s8 =	simm.s32 $0x40;
	v3 =	vld [tilespmem:s5+$0x11800]  }
.LBB2_13:
0xc9: {  	p0 =	sne.s32 s8, $0x9FC0;
	v4 =	vld [tilespmem:s5+$0xC800];
	_ =	sdelay $0x4  }
.Ltmp6:
0xca: {  	v3 =	vmul.f32 $1.000000010e-01, v3;
	v2 =	vmul.f32 v2, v4;
	(pc) =	sbr.rel @p0 .LBB2_13-.Ltmp6, $4  }
0xcb: {  	_ = 	snop  }
0xcc: {  	s9 =	sshra.s32 s8, $0x2;
	v4 =	vadd.f32 v3, v2  }
0xcd: {  	v2 =	vld [tilespmem:s9+$0xF000]  }
0xce: {  	s8 =	sadd.s32 $0x40, s8;
	v3 =	vld [tilespmem:s9+$0x11800];
	[tilespmem:s5+$0xC800] =	vst v4;
	s5 =	smov.u32 s9  }
0xcf: {  	v4 =	vld [tilespmem:s5+$0xC800];
	_ =	sdelay $0x4  }
0xd0: {  	v3 =	vmul.f32 $1.000000010e-01, v3;
	v2 =	vmul.f32 v2, v4;
	_ =	sdelay $0x1  }
0xd1: {  	v2 =	vadd.f32 v3, v2;
	_ =	sdelay $0x1  }
0xd2: {  	s11 =	rddreg [dreg:$0x8];
	[tilespmem:s5+$0xC800] =	vst v2  }
0xd3: {  	[spmem:s11] =	stream.linear.scatter [tilespmem:s0], [sflag:$0xA], $0x2800, $0x38;
	[tilespmem:$0x1E018] =	vst v63  }
0xd4: {  	_ =	swait.ge [sflag:s14], $0x2800  }
0xd5: {  	[sflag:s14] =	ssyncset.done $0x0  }
0xd6: {  	[sflag:s14] =	ssyncadd.s32 $0xFFFFD800  }
0xd7: {  	[spmem:s10] =	stream.linear.scatter [tilespmem:s6], [sflag:$0xA], $0x2800, $0x38;
	[tilespmem:$0x1E018] =	vst v63  }
0xd8: {  	_ =	swait.ge [sflag:s14], $0x2800  }
0xd9: {  	[sflag:s14] =	ssyncset.done $0x0  }
0xda: {  	[sflag:s14] =	ssyncadd.s32 $0xFFFFD800  }
0xdb: {  	s5 =	simm.s32 $0x0;
	[bflag:$0x0] =	sbarrier.arrive $0xFFFF  }
0xdc: {  	[tilespmem:s21], [sflag:$0x1] =	stream.indirect.gather [spmem:s1], $0x10, s5, s20, $0xb8;
	[tilespmem:$0x1E018] =	vst v63  }
0xdd: {  	_ = 	snop  }
0xde: {  	[tilespmem:s22], [sflag:$0x2] =	stream.indirect.gather [spmem:s1], $0x10, s20, s20, $0xb8;
	[tilespmem:$0x1E018] =	vst v63  }
0xdf: {  	s8 =	simm.s32 $0x100  }
0xe0: {  	[tilespmem:s24], [sflag:$0x3] =	stream.indirect.gather [spmem:s1], $0x10, s8, s20, $0xb8;
	[tilespmem:$0x1E018] =	vst v63  }
0xe1: {  	_ =	swait.ge [sflag:s25], $0x800  }
0xe2: {  	[sflag:s25] =	ssyncset.done $0x0  }
0xe3: {  	[sflag:s25] =	ssyncadd.s32 $0xFFFFF800  }
0xe4: {  	[spmem:s3] =	stream.indirect.scatter.add.f32 [tilespmem:s21], [sflag:$0x5], $0x10, s15, s20, $0xb8;
	[tilespmem:$0x1E018] =	vst v63  }
0xe5: {  	s19 =	simm.s32 $0x180  }
0xe6: {  	[tilespmem:s29], [sflag:$0x4] =	stream.indirect.gather [spmem:s1], $0x10, s19, s20, $0xb8;
	[tilespmem:$0x1E018] =	vst v63  }
0xe7: {  	_ =	swait.ge [sflag:s30], $0x800  }
0xe8: {  	[sflag:s30] =	ssyncset.done $0x0  }
0xe9: {  	s31 =	simm.s32 $0x5080;
	[sflag:s30] =	ssyncadd.s32 $0xFFFFF800  }
0xea: {  	[spmem:s3] =	stream.indirect.scatter.add.f32 [tilespmem:s22], [sflag:$0x6], $0x10, s31, s20, $0xb8;
	[tilespmem:$0x1E018] =	vst v63  }
0xeb: {  	_ =	swait.ge [sflag:s2], $0x800  }
0xec: {  	[sflag:s2] =	ssyncset.done $0x0  }
0xed: {  	s9 =	simm.s32 $0x200;
	[sflag:s2] =	ssyncadd.s32 $0xFFFFF800  }
0xee: {  	[tilespmem:s21], [sflag:$0x1] =	stream.indirect.gather [spmem:s1], $0x10, s9, s20, $0xb8;
	[tilespmem:$0x1E018] =	vst v63  }
0xef: {  	_ =	swait.ge [sflag:s16], $0x800  }
0xf0: {  	[sflag:s16] =	ssyncset.done $0x0  }
0xf1: {  	s11 =	simm.s32 $0x5100;
	[sflag:s16] =	ssyncadd.s32 $0xFFFFF800  }
0xf2: {  	[spmem:s3] =	stream.indirect.scatter.add.f32 [tilespmem:s24], [sflag:$0x7], $0x10, s11, s20, $0xb8;
	[tilespmem:$0x1E018] =	vst v63  }
0xf3: {  	_ =	swait.ge [sflag:s7], $0x800  }
0xf4: {  	[sflag:s7] =	ssyncset.done $0x0  }
0xf5: {  	s19 =	simm.s32 $0x280;
	[sflag:s7] =	ssyncadd.s32 $0xFFFFF800  }
0xf6: {  	[tilespmem:s22], [sflag:$0x2] =	stream.indirect.gather [spmem:s1], $0x10, s19, s20, $0xb8;
	[tilespmem:$0x1E018] =	vst v63  }
0xf7: {  	_ =	swait.ge [sflag:s13], $0x800  }
0xf8: {  	[sflag:s13] =	ssyncset.done $0x0  }
0xf9: {  	[sflag:s13] =	ssyncadd.s32 $0xFFFFF800  }
0xfa: {  	[spmem:s3] =	stream.indirect.scatter.add.f32 [tilespmem:s29], [sflag:$0x8], $0x10, s17, s20, $0xb8;
	[tilespmem:$0x1E018] =	vst v63  }
0xfb: {  	_ =	swait.ge [sflag:s18], $0x800  }
0xfc: {  	[sflag:s18] =	ssyncset.done $0x0  }
0xfd: {  	s31 =	simm.s32 $0x300;
	[sflag:s18] =	ssyncadd.s32 $0xFFFFF800  }
0xfe: {  	[tilespmem:s24], [sflag:$0x3] =	stream.indirect.gather [spmem:s1], $0x10, s31, s20, $0xb8;
	[tilespmem:$0x1E018] =	vst v63  }
.LBB2_15:
0xff: {  	_ =	swait.ge [sflag:s25], $0x800  }
0x100: {  	s8 =	sshra.s32 s5, $0x2;
	[sflag:s25] =	ssyncset.done $0x0  }
0x101: {  	s9 =	sadd.s32 $0x5200, s8;
	[sflag:s25] =	ssyncadd.s32 $0xFFFFF800  }
0x102: {  	[spmem:s3] =	stream.indirect.scatter.add.f32 [tilespmem:s21], [sflag:$0x5], $0x10, s9, s20, $0xb8;
	[tilespmem:$0x1E018] =	vst v63  }
0x103: {  	_ =	swait.ge [sflag:s23], $0x800  }
0x104: {  	[sflag:s23] =	ssyncset.done $0x0  }
0x105: {  	s11 =	sadd.s32 $0x380, s8;
	[sflag:s23] =	ssyncadd.s32 $0xFFFFF800  }
0x106: {  	[tilespmem:s29], [sflag:$0x4] =	stream.indirect.gather [spmem:s1], $0x10, s11, s20, $0xb8;
	[tilespmem:$0x1E018] =	vst v63  }
0x107: {  	_ =	swait.ge [sflag:s30], $0x800  }
0x108: {  	p0 =	seq.s32 s5, $0x13000;
	[sflag:s30] =	ssyncset.done $0x0  }
0x109: {  	s19 =	sadd.s32 $0x5280, s8;
	s9 =	simm.s32 @p0 $0x3;
	[sflag:s30] =	ssyncadd.s32 $0xFFFFF800  }
0x10a: {  	[spmem:s3] =	stream.indirect.scatter.add.f32 [tilespmem:s22], [sflag:$0x6], $0x10, s19, s20, $0xb8;
	[tilespmem:$0x1E018] =	vst v63  }
0x10b: {  	_ =	swait.ge @p0 [sflag:s9], $0x800  }
0x10c: {  	[sflag:s9] =	ssyncset.done @p0 $0x0  }
0x10d: {  	[sflag:s9] =	ssyncadd.s32 @p0 $0xFFFFF800;
	s9 =	sshra.s32 @p0 s5, $0x2  }
0x10e: {  	s11 =	simm.s32 @p0 $0x80;
	s19 =	simm.s32 @p0 $0xB000;
	s9 =	sadd.s32 @p0 $0x5300, s9  }
0x10f: {  	[spmem:s3] =	stream.indirect.scatter.add.f32 @p0 [tilespmem:s19], [sflag:$0x7], $0x10, s9, s11, $0xb8;
	[tilespmem:$0x1E018] =	vst v63  }
0x110: {  	s9 =	simm.s32 @!p0 $0x5  }
0x111: {  	_ =	swait.ge @!p0 [sflag:s9], $0x800  }
0x112: {  	[sflag:s9] =	ssyncset.done @!p0 $0x0  }
0x113: {  	[sflag:s9] =	ssyncadd.s32 @!p0 $0xFFFFF800;
	s9 =	sshra.s32 @!p0 s5, $0x2  }
0x114: {  	s31 =	simm.s32 @!p0 $0xA000;
	s19 =	simm.s32 @!p0 $0x80;
	s11 =	sadd.s32 @!p0 $0x400, s9  }
0x115: {  	[tilespmem:s31], [sflag:$0x1] =	stream.indirect.gather @!p0 [spmem:s1], $0x10, s11, s19, $0xb8;
	[tilespmem:$0x1E018] =	vst v63  }
0x116: {  	s11 =	simm.s32 @!p0 $0x3  }
0x117: {  	_ =	swait.ge @!p0 [sflag:s11], $0x800  }
0x118: {  	[sflag:s11] =	ssyncset.done @!p0 $0x0  }
0x119: {  	s31 =	simm.s32 @!p0 $0xB000;
	[sflag:s11] =	ssyncadd.s32 @!p0 $0xFFFFF800;
	s11 =	sadd.s32 @!p0 $0x5300, s9  }
0x11a: {  	[spmem:s3] =	stream.indirect.scatter.add.f32 @!p0 [tilespmem:s31], [sflag:$0x7], $0x10, s11, s19, $0xb8;
	[tilespmem:$0x1E018] =	vst v63  }
0x11b: {  	s11 =	simm.s32 @!p0 $0x6  }
0x11c: {  	_ =	swait.ge @!p0 [sflag:s11], $0x800  }
0x11d: {  	[sflag:s11] =	ssyncset.done @!p0 $0x0  }
0x11e: {  	s9 =	sadd.s32 @!p0 $0x480, s9;
	[sflag:s11] =	ssyncadd.s32 @!p0 $0xFFFFF800;
	s11 =	simm.s32 @!p0 $0xA800  }
0x11f: {  	[tilespmem:s11], [sflag:$0x2] =	stream.indirect.gather @!p0 [spmem:s1], $0x10, s9, s19, $0xb8;
	[tilespmem:$0x1E018] =	vst v63  }
.Ltmp7:
0x120: {  	_ = 	snop;
	(pc) =	sbr.rel @p0 .LBB2_17-.Ltmp7, $4  }
0x121: {  	_ =	swait.ge [sflag:s13], $0x800  }
0x122: {  	[sflag:s13] =	ssyncset.done $0x0  }
0x123: {  	s31 =	sadd.s32 $0x5380, s8;
	[sflag:s13] =	ssyncadd.s32 $0xFFFFF800  }
0x124: {  	[spmem:s3] =	stream.indirect.scatter.add.f32 [tilespmem:s29], [sflag:$0x8], $0x10, s31, s20, $0xb8;
	[tilespmem:$0x1E018] =	vst v63  }
.Ltmp8:
0x125: {  	(pc) =	sbr.rel .LBB2_15-.Ltmp8, $4  }
0x126: {  	_ =	swait.ge [sflag:s18], $0x800  }
0x127: {  	[sflag:s18] =	ssyncset.done $0x0  }
0x128: {  	s8 =	sadd.s32 $0x500, s8;
	s5 =	sadd.s32 $0x800, s5;
	[sflag:s18] =	ssyncadd.s32 $0xFFFFF800  }
0x129: {  	[tilespmem:s24], [sflag:$0x3] =	stream.indirect.gather [spmem:s1], $0x10, s8, s20, $0xb8;
	[tilespmem:$0x1E018] =	vst v63  }
.LBB2_17:
0x12a: {  	_ =	swait.ge [sflag:s2], $0x800  }
0x12b: {  	[sflag:s2] =	ssyncset.done $0x0  }
0x12c: {  	[sflag:s2] =	ssyncadd.s32 $0xFFFFF800  }
0x12d: {  	_ =	swait.ge [sflag:s7], $0x800  }
0x12e: {  	[sflag:s7] =	ssyncset.done $0x0  }
0x12f: {  	[sflag:s7] =	ssyncadd.s32 $0xFFFFF800  }
0x130: {  	_ =	swait.ge [sflag:s18], $0x800  }
0x131: {  	[sflag:s18] =	ssyncset.done $0x0  }
0x132: {  	[sflag:s18] =	ssyncadd.s32 $0xFFFFF800  }
0x133: {  	_ =	swait.ge [sflag:s23], $0x800  }
0x134: {  	[sflag:s23] =	ssyncset.done $0x0  }
0x135: {  	[sflag:s23] =	ssyncadd.s32 $0xFFFFF800  }
0x136: {  	[bflag:$0x0] =	sbarrier.arrive $0xFFFF  }
0x137: {  	[tilespmem:s0], [sflag:$0xA] =	stream.linear.gather [spmem:s10], $0x2800, $0x38;
	[tilespmem:$0x1E018] =	vst v63  }
0x138: {  	_ =	swait.ge [sflag:s14], $0x2800  }
0x139: {  	[sflag:s14] =	ssyncset.done $0x0  }
0x13a: {  	s5 =	simm.s32 $0x0;
	[sflag:s14] =	ssyncadd.s32 $0xFFFFD800  }
0x13b: {  	v2 =	vld [tilespmem:s5+$0xF000]  }
0x13c: {  	s8 =	simm.s32 $0x40;
	v3 =	vld [tilespmem:s5+$0x11800]  }
.LBB2_18:
0x13d: {  	p0 =	sne.s32 s8, $0x9FC0;
	v4 =	vld [tilespmem:s5+$0xC800];
	_ =	sdelay $0x4  }
.Ltmp9:
0x13e: {  	v3 =	vmul.f32 $1.000000010e-01, v3;
	v2 =	vmul.f32 v2, v4;
	(pc) =	sbr.rel @p0 .LBB2_18-.Ltmp9, $4  }
0x13f: {  	_ = 	snop  }
0x140: {  	s9 =	sshra.s32 s8, $0x2;
	v4 =	vadd.f32 v3, v2  }
0x141: {  	v2 =	vld [tilespmem:s9+$0xF000]  }
0x142: {  	s8 =	sadd.s32 $0x40, s8;
	v3 =	vld [tilespmem:s9+$0x11800];
	[tilespmem:s5+$0xC800] =	vst v4;
	s5 =	smov.u32 s9  }
0x143: {  	v4 =	vld [tilespmem:s5+$0xC800];
	_ =	sdelay $0x4  }
0x144: {  	v3 =	vmul.f32 $1.000000010e-01, v3;
	v2 =	vmul.f32 v2, v4;
	_ =	sdelay $0x1  }
0x145: {  	v2 =	vadd.f32 v3, v2;
	_ =	sdelay $0x1  }
0x146: {  	s11 =	rddreg [dreg:$0x8];
	[tilespmem:s5+$0xC800] =	vst v2  }
0x147: {  	[spmem:s11] =	stream.linear.scatter [tilespmem:s0], [sflag:$0xA], $0x2800, $0x38;
	[tilespmem:$0x1E018] =	vst v63  }
0x148: {  	_ =	swait.ge [sflag:s14], $0x2800  }
0x149: {  	[sflag:s14] =	ssyncset.done $0x0  }
0x14a: {  	[sflag:s14] =	ssyncadd.s32 $0xFFFFD800  }
0x14b: {  	[spmem:s10] =	stream.linear.scatter [tilespmem:s6], [sflag:$0xA], $0x2800, $0x38;
	[tilespmem:$0x1E018] =	vst v63  }
0x14c: {  	_ =	swait.ge [sflag:s14], $0x2800  }
0x14d: {  	[sflag:s14] =	ssyncset.done $0x0  }
0x14e: {  	[sflag:s14] =	ssyncadd.s32 $0xFFFFD800  }
0x14f: {  	s5 =	simm.s32 $0x0;
	[bflag:$0x0] =	sbarrier.arrive $0xFFFF  }
0x150: {  	[tilespmem:s21], [sflag:$0x1] =	stream.indirect.gather [spmem:s1], $0x10, s5, s20, $0xb8;
	[tilespmem:$0x1E018] =	vst v63  }
0x151: {  	_ = 	snop  }
0x152: {  	[tilespmem:s22], [sflag:$0x2] =	stream.indirect.gather [spmem:s1], $0x10, s20, s20, $0xb8;
	[tilespmem:$0x1E018] =	vst v63  }
0x153: {  	s19 =	simm.s32 $0x100  }
0x154: {  	[tilespmem:s24], [sflag:$0x3] =	stream.indirect.gather [spmem:s1], $0x10, s19, s20, $0xb8;
	[tilespmem:$0x1E018] =	vst v63  }
0x155: {  	_ =	swait.ge [sflag:s25], $0x800  }
0x156: {  	[sflag:s25] =	ssyncset.done $0x0  }
0x157: {  	[sflag:s25] =	ssyncadd.s32 $0xFFFFF800  }
0x158: {  	[spmem:s3] =	stream.indirect.scatter.add.f32 [tilespmem:s21], [sflag:$0x5], $0x10, s15, s20, $0xb8;
	[tilespmem:$0x1E018] =	vst v63  }
0x159: {  	s31 =	simm.s32 $0x180  }
0x15a: {  	[tilespmem:s29], [sflag:$0x4] =	stream.indirect.gather [spmem:s1], $0x10, s31, s20, $0xb8;
	[tilespmem:$0x1E018] =	vst v63  }
0x15b: {  	_ =	swait.ge [sflag:s30], $0x800  }
0x15c: {  	[sflag:s30] =	ssyncset.done $0x0  }
0x15d: {  	s8 =	simm.s32 $0x5080;
	[sflag:s30] =	ssyncadd.s32 $0xFFFFF800  }
0x15e: {  	[spmem:s3] =	stream.indirect.scatter.add.f32 [tilespmem:s22], [sflag:$0x6], $0x10, s8, s20, $0xb8;
	[tilespmem:$0x1E018] =	vst v63  }
0x15f: {  	_ =	swait.ge [sflag:s2], $0x800  }
0x160: {  	[sflag:s2] =	ssyncset.done $0x0  }
0x161: {  	s9 =	simm.s32 $0x200;
	[sflag:s2] =	ssyncadd.s32 $0xFFFFF800  }
0x162: {  	[tilespmem:s21], [sflag:$0x1] =	stream.indirect.gather [spmem:s1], $0x10, s9, s20, $0xb8;
	[tilespmem:$0x1E018] =	vst v63  }
0x163: {  	_ =	swait.ge [sflag:s16], $0x800  }
0x164: {  	[sflag:s16] =	ssyncset.done $0x0  }
0x165: {  	s11 =	simm.s32 $0x5100;
	[sflag:s16] =	ssyncadd.s32 $0xFFFFF800  }
0x166: {  	[spmem:s3] =	stream.indirect.scatter.add.f32 [tilespmem:s24], [sflag:$0x7], $0x10, s11, s20, $0xb8;
	[tilespmem:$0x1E018] =	vst v63  }
0x167: {  	_ =	swait.ge [sflag:s7], $0x800  }
0x168: {  	[sflag:s7] =	ssyncset.done $0x0  }
0x169: {  	s19 =	simm.s32 $0x280;
	[sflag:s7] =	ssyncadd.s32 $0xFFFFF800  }
0x16a: {  	[tilespmem:s22], [sflag:$0x2] =	stream.indirect.gather [spmem:s1], $0x10, s19, s20, $0xb8;
	[tilespmem:$0x1E018] =	vst v63  }
0x16b: {  	_ =	swait.ge [sflag:s13], $0x800  }
0x16c: {  	[sflag:s13] =	ssyncset.done $0x0  }
0x16d: {  	[sflag:s13] =	ssyncadd.s32 $0xFFFFF800  }
0x16e: {  	[spmem:s3] =	stream.indirect.scatter.add.f32 [tilespmem:s29], [sflag:$0x8], $0x10, s17, s20, $0xb8;
	[tilespmem:$0x1E018] =	vst v63  }
0x16f: {  	_ =	swait.ge [sflag:s18], $0x800  }
0x170: {  	[sflag:s18] =	ssyncset.done $0x0  }
0x171: {  	s31 =	simm.s32 $0x300;
	[sflag:s18] =	ssyncadd.s32 $0xFFFFF800  }
0x172: {  	[tilespmem:s24], [sflag:$0x3] =	stream.indirect.gather [spmem:s1], $0x10, s31, s20, $0xb8;
	[tilespmem:$0x1E018] =	vst v63  }
.LBB2_20:
0x173: {  	_ =	swait.ge [sflag:s25], $0x800  }
0x174: {  	s8 =	sshra.s32 s5, $0x2;
	[sflag:s25] =	ssyncset.done $0x0  }
0x175: {  	s9 =	sadd.s32 $0x5200, s8;
	[sflag:s25] =	ssyncadd.s32 $0xFFFFF800  }
0x176: {  	[spmem:s3] =	stream.indirect.scatter.add.f32 [tilespmem:s21], [sflag:$0x5], $0x10, s9, s20, $0xb8;
	[tilespmem:$0x1E018] =	vst v63  }
0x177: {  	_ =	swait.ge [sflag:s23], $0x800  }
0x178: {  	[sflag:s23] =	ssyncset.done $0x0  }
0x179: {  	s11 =	sadd.s32 $0x380, s8;
	[sflag:s23] =	ssyncadd.s32 $0xFFFFF800  }
0x17a: {  	[tilespmem:s29], [sflag:$0x4] =	stream.indirect.gather [spmem:s1], $0x10, s11, s20, $0xb8;
	[tilespmem:$0x1E018] =	vst v63  }
0x17b: {  	_ =	swait.ge [sflag:s30], $0x800  }
0x17c: {  	p0 =	seq.s32 s5, $0x13000;
	[sflag:s30] =	ssyncset.done $0x0  }
0x17d: {  	s19 =	sadd.s32 $0x5280, s8;
	s9 =	simm.s32 @p0 $0x3;
	[sflag:s30] =	ssyncadd.s32 $0xFFFFF800  }
0x17e: {  	[spmem:s3] =	stream.indirect.scatter.add.f32 [tilespmem:s22], [sflag:$0x6], $0x10, s19, s20, $0xb8;
	[tilespmem:$0x1E018] =	vst v63  }
0x17f: {  	_ =	swait.ge @p0 [sflag:s9], $0x800  }
0x180: {  	[sflag:s9] =	ssyncset.done @p0 $0x0  }
0x181: {  	[sflag:s9] =	ssyncadd.s32 @p0 $0xFFFFF800;
	s9 =	sshra.s32 @p0 s5, $0x2  }
0x182: {  	s11 =	simm.s32 @p0 $0x80;
	s19 =	simm.s32 @p0 $0xB000;
	s9 =	sadd.s32 @p0 $0x5300, s9  }
0x183: {  	[spmem:s3] =	stream.indirect.scatter.add.f32 @p0 [tilespmem:s19], [sflag:$0x7], $0x10, s9, s11, $0xb8;
	[tilespmem:$0x1E018] =	vst v63  }
0x184: {  	s9 =	simm.s32 @!p0 $0x5  }
0x185: {  	_ =	swait.ge @!p0 [sflag:s9], $0x800  }
0x186: {  	[sflag:s9] =	ssyncset.done @!p0 $0x0  }
0x187: {  	[sflag:s9] =	ssyncadd.s32 @!p0 $0xFFFFF800;
	s9 =	sshra.s32 @!p0 s5, $0x2  }
0x188: {  	s31 =	simm.s32 @!p0 $0xA000;
	s19 =	simm.s32 @!p0 $0x80;
	s11 =	sadd.s32 @!p0 $0x400, s9  }
0x189: {  	[tilespmem:s31], [sflag:$0x1] =	stream.indirect.gather @!p0 [spmem:s1], $0x10, s11, s19, $0xb8;
	[tilespmem:$0x1E018] =	vst v63  }
0x18a: {  	s11 =	simm.s32 @!p0 $0x3  }
0x18b: {  	_ =	swait.ge @!p0 [sflag:s11], $0x800  }
0x18c: {  	[sflag:s11] =	ssyncset.done @!p0 $0x0  }
0x18d: {  	s31 =	simm.s32 @!p0 $0xB000;
	[sflag:s11] =	ssyncadd.s32 @!p0 $0xFFFFF800;
	s11 =	sadd.s32 @!p0 $0x5300, s9  }
0x18e: {  	[spmem:s3] =	stream.indirect.scatter.add.f32 @!p0 [tilespmem:s31], [sflag:$0x7], $0x10, s11, s19, $0xb8;
	[tilespmem:$0x1E018] =	vst v63  }
0x18f: {  	s11 =	simm.s32 @!p0 $0x6  }
0x190: {  	_ =	swait.ge @!p0 [sflag:s11], $0x800  }
0x191: {  	[sflag:s11] =	ssyncset.done @!p0 $0x0  }
0x192: {  	s9 =	sadd.s32 @!p0 $0x480, s9;
	[sflag:s11] =	ssyncadd.s32 @!p0 $0xFFFFF800;
	s11 =	simm.s32 @!p0 $0xA800  }
0x193: {  	[tilespmem:s11], [sflag:$0x2] =	stream.indirect.gather @!p0 [spmem:s1], $0x10, s9, s19, $0xb8;
	[tilespmem:$0x1E018] =	vst v63  }
.Ltmp10:
0x194: {  	_ = 	snop;
	(pc) =	sbr.rel @p0 .LBB2_22-.Ltmp10, $4  }
0x195: {  	_ =	swait.ge [sflag:s13], $0x800  }
0x196: {  	[sflag:s13] =	ssyncset.done $0x0  }
0x197: {  	s31 =	sadd.s32 $0x5380, s8;
	[sflag:s13] =	ssyncadd.s32 $0xFFFFF800  }
0x198: {  	[spmem:s3] =	stream.indirect.scatter.add.f32 [tilespmem:s29], [sflag:$0x8], $0x10, s31, s20, $0xb8;
	[tilespmem:$0x1E018] =	vst v63  }
.Ltmp11:
0x199: {  	(pc) =	sbr.rel .LBB2_20-.Ltmp11, $4  }
0x19a: {  	_ =	swait.ge [sflag:s18], $0x800  }
0x19b: {  	[sflag:s18] =	ssyncset.done $0x0  }
0x19c: {  	s8 =	sadd.s32 $0x500, s8;
	s5 =	sadd.s32 $0x800, s5;
	[sflag:s18] =	ssyncadd.s32 $0xFFFFF800  }
0x19d: {  	[tilespmem:s24], [sflag:$0x3] =	stream.indirect.gather [spmem:s1], $0x10, s8, s20, $0xb8;
	[tilespmem:$0x1E018] =	vst v63  }
.LBB2_22:
0x19e: {  	_ =	swait.ge [sflag:s2], $0x800  }
0x19f: {  	[sflag:s2] =	ssyncset.done $0x0  }
0x1a0: {  	[sflag:s2] =	ssyncadd.s32 $0xFFFFF800  }
0x1a1: {  	_ =	swait.ge [sflag:s7], $0x800  }
0x1a2: {  	[sflag:s7] =	ssyncset.done $0x0  }
0x1a3: {  	[sflag:s7] =	ssyncadd.s32 $0xFFFFF800  }
0x1a4: {  	_ =	swait.ge [sflag:s18], $0x800  }
0x1a5: {  	[sflag:s18] =	ssyncset.done $0x0  }
0x1a6: {  	[sflag:s18] =	ssyncadd.s32 $0xFFFFF800  }
0x1a7: {  	_ =	swait.ge [sflag:s23], $0x800  }
0x1a8: {  	[sflag:s23] =	ssyncset.done $0x0  }
0x1a9: {  	[sflag:s23] =	ssyncadd.s32 $0xFFFFF800  }
0x1aa: {  	[bflag:$0x0] =	sbarrier.arrive $0xFFFF  }
0x1ab: {  	[tilespmem:s0], [sflag:$0xA] =	stream.linear.gather [spmem:s10], $0x2800, $0x38;
	[tilespmem:$0x1E018] =	vst v63  }
0x1ac: {  	_ =	swait.ge [sflag:s14], $0x2800  }
0x1ad: {  	[sflag:s14] =	ssyncset.done $0x0  }
0x1ae: {  	s5 =	simm.s32 $0x0;
	[sflag:s14] =	ssyncadd.s32 $0xFFFFD800  }
0x1af: {  	v2 =	vld [tilespmem:s5+$0xF000]  }
0x1b0: {  	s8 =	simm.s32 $0x40;
	v3 =	vld [tilespmem:s5+$0x11800]  }
.LBB2_23:
0x1b1: {  	p0 =	sne.s32 s8, $0x9FC0;
	v4 =	vld [tilespmem:s5+$0xC800];
	_ =	sdelay $0x4  }
.Ltmp12:
0x1b2: {  	v3 =	vmul.f32 $1.000000010e-01, v3;
	v2 =	vmul.f32 v2, v4;
	(pc) =	sbr.rel @p0 .LBB2_23-.Ltmp12, $4  }
0x1b3: {  	_ = 	snop  }
0x1b4: {  	s9 =	sshra.s32 s8, $0x2;
	v4 =	vadd.f32 v3, v2  }
0x1b5: {  	v2 =	vld [tilespmem:s9+$0xF000]  }
0x1b6: {  	s8 =	sadd.s32 $0x40, s8;
	v3 =	vld [tilespmem:s9+$0x11800];
	[tilespmem:s5+$0xC800] =	vst v4;
	s5 =	smov.u32 s9  }
0x1b7: {  	v4 =	vld [tilespmem:s5+$0xC800];
	_ =	sdelay $0x4  }
0x1b8: {  	v3 =	vmul.f32 $1.000000010e-01, v3;
	v2 =	vmul.f32 v2, v4;
	_ =	sdelay $0x1  }
0x1b9: {  	v2 =	vadd.f32 v3, v2;
	_ =	sdelay $0x1  }
0x1ba: {  	s19 =	simm.s32 $0x0;
	s11 =	rddreg [dreg:$0xa];
	[tilespmem:s5+$0xC800] =	vst v2  }
0x1bb: {  	[hbm4b:s11+s19] =	stream.linear.scatter [tilespmem:s0], [sflag:$0xA], $0x2800, $0x38;
	[tilespmem:$0x1E018] =	vst v63  }
0x1bc: {  	_ =	swait.ge [sflag:s14], $0x2800  }
0x1bd: {  	s12 =	sadd.s32 $0x1, s12;
	s31 =	rddreg [dreg:$0xb]  }
0x1be: {  	p0 =	sne.s32 s12, s31  }
.Ltmp13:
0x1bf: {  	_ = 	snop;
	(pc) =	sbr.rel @p0 .LBB2_1-.Ltmp13, $3  }
0x1c0: {  	[sflag:s14] =	ssyncset.done $0x0  }
0x1c1: {  	[sflag:s14] =	ssyncadd.s32 $0xFFFFD800  }
0x1c2: {  	[bflag:$0x0] =	sbarrier.arrive $0xFFFF;
	_ =	sdelay $0x1  }
0x1c3: {  	_ =	sfence.sel $0x180000  }
0x1c4: {  	[bflag:$0x0] =	sbarrier.arrive $0xFFFF  }
0x1c5: {  	_ =	strace $0x90000047  }
0x1c6: {  	s0 =	stileid.u32;
	[bflag:$0x2] =	sbarrier.arrive $0xFFFF  }
0x1c7: {  	p0 =	sne.s32 s0, $0x0;
	s0 =	rddreg [dreg:$0x4]  }
0x1c8: {  	s0 =	sadd.s32 @!p0 $0x100000, s0  }
0x1c9: {  	[sflag:s0] =	ssyncadd.tile.s32 @!p0 $0x1;
	_ =	shalt  }
.Lfunc_end2:
_tile_overlayer_lowered:
.L_overlay_start_2:
0x1ca: {  	(tag) =	ssettag $0x2  }
0x1cb: {  	s0 =	rddreg [dreg:$0x0];
	s2 =	stileid.u32  }
0x1cc: {  	s1 =	rddreg [dreg:$0x1];
	p0 =	sne.s32 s2, $0x0  }
0x1cd: {  	s3 =	rddreg [dreg:$0x2];
	[bflag:$0x3] =	sbarrier.arrive $0xFFFF;
	s2 =	simm.s32 @!p0 $0x1C0A  }
0x1ce: {  	[timem:s3], [sflag:s2] =	dma.local @!p0 [hbm:s0], s1  }
0x1cf: {  	s0 =	simm.s32 @!p0 $0xA  }
0x1d0: {  	_ =	swait.ge @!p0 [sflag:s0], s1  }
0x1d1: {  	s1 =	ssub.s32 @!p0 $0x0, s1;
	[sflag:s0] =	ssyncset.done @!p0 $0x0  }
0x1d2: {  	[sflag:s0] =	ssyncadd.s32 @!p0 s1  }
0x1d3: {  	[bflag:$0x3] =	sbarrier.arrive $0xFFFF  }
0x1d4: {  	_ =	shalt  }

</sc_bundles>
